<compile_context>
chip_gen: v7x
topology: tpu7x:2x2x1
jax: 0.10.2.dev20260603
libtpu: 0.0.44.dev20260713+nightly
codegen_flags: <defaults>
</compile_context>

<pallas_src>
import functools

import numpy as np
import jax
import jax.numpy as jnp
from jax import lax
from jax.experimental import pallas as pl
from jax.experimental.pallas import tpu as pltpu
from jax.experimental.pallas import tpu_sc as plsc

_N_HEADS = 16
_WS = 14
_L = _WS * _WS + 1
_N_REL = (2 * _WS - 1) ** 2 + 3
_LP = 208
_NI = 7
_N_TILES = 32


def _rel_pos_ind_np() -> np.ndarray:
    ws = _WS
    coords = np.stack(np.meshgrid(np.arange(ws), np.arange(ws), indexing="ij"))
    coords = coords.reshape(2, -1)
    rel = coords[:, :, None] - coords[:, None, :]
    rel = np.transpose(rel, (1, 2, 0)).astype(np.int64)
    rel[:, :, 0] += ws - 1
    rel[:, :, 1] += ws - 1
    rel[:, :, 0] *= 2 * ws - 1
    area = ws * ws
    ind = np.zeros((area + 1, area + 1), dtype=np.int64)
    ind[1:, 1:] = rel.sum(-1)
    ind[0, :] = _N_REL - 3
    ind[:, 0] = _N_REL - 2
    ind[0, 0] = _N_REL - 1
    return ind.astype(np.int32)


def _ind_pad_np() -> np.ndarray:
    ind = np.zeros((_L, 1, _LP), dtype=np.int32)
    ind[:, 0, :_L] = _rel_pos_ind_np()
    return ind


_IND_PAD = _ind_pad_np()


@functools.lru_cache(maxsize=None)
def _make_bias_kernel():
    mesh = plsc.VectorSubcoreMesh(core_axis_name="c", subcore_axis_name="s")

    @functools.partial(
        pl.kernel,
        mesh=mesh,
        out_type=jax.ShapeDtypeStruct((_L, _N_HEADS, _LP), jnp.float32),
        compiler_params=pltpu.CompilerParams(needs_layout_passes=False),
        scratch_types=[
            pltpu.VMEM((_N_REL * _N_HEADS,), jnp.float32),
            pltpu.VMEM((_NI, 1, _LP), jnp.int32),
            pltpu.VMEM((_NI, _N_HEADS, _LP), jnp.float32),
            pltpu.SemaphoreType.DMA,
            pltpu.SemaphoreType.DMA,
        ],
    )
    def bias_kernel(table_hbm, ind_hbm, out_hbm, table_v, ind_v, out_v,
                    sem_t, sem_i):
        tid = lax.axis_index("s") * 2 + lax.axis_index("c")
        i0 = jnp.minimum(tid * _NI, _L - _NI)
        copy_t = pltpu.async_copy(table_hbm, table_v, sem_t)
        copy_i = pltpu.async_copy(ind_hbm.at[pl.ds(i0, _NI), :, :], ind_v,
                                  sem_i)
        copy_i.wait()
        copy_t.wait()

        def i_body(i, carry):
            base = [
                ind_v[i, 0, pl.ds(c * 16, 16)] * _N_HEADS
                for c in range(_LP // 16)
            ]

            @plsc.parallel_loop(0, _N_HEADS, unroll=4)
            def h_body(h):
                for c in range(_LP // 16):
                    out_v[i, h, pl.ds(c * 16, 16)] = plsc.load_gather(
                        table_v, [base[c] + h]
                    )

            return carry

        lax.fori_loop(0, _NI, i_body, 0)
        pltpu.sync_copy(out_v, out_hbm.at[pl.ds(i0, _NI), :, :])

    return bias_kernel


def _add_body(bias_ref, in_ref, out_ref):
    out_ref[...] = in_ref[...] + bias_ref[:, :, : _L]


def _rel_add(bias, in_t):
    batch, n_heads = in_t.shape[0], in_t.shape[2]
    bb = 2
    return pl.pallas_call(
        _add_body,
        grid=(batch // bb,),
        in_specs=[
            pl.BlockSpec((_L, n_heads, _LP), lambda b: (0, 0, 0)),
            pl.BlockSpec((bb, _L, n_heads, _L), lambda b: (b, 0, 0, 0)),
        ],
        out_specs=pl.BlockSpec((bb, _L, n_heads, _L), lambda b: (b, 0, 0, 0)),
        out_shape=jax.ShapeDtypeStruct(in_t.shape, in_t.dtype),
        compiler_params=pltpu.CompilerParams(
            dimension_semantics=("arbitrary",),
        ),
    )(bias, in_t)


def kernel(input, rel_pos_table):
    bias = _make_bias_kernel()(
        rel_pos_table.reshape(-1), jnp.asarray(_IND_PAD)
    )
    in_t = jnp.transpose(input, (0, 2, 1, 3))
    out_t = _rel_add(bias, in_t)
    return jnp.transpose(out_t, (0, 2, 1, 3))

# --- scband reference (transcript-rebuilt; emitter-appended) ---
"""Pipeline reference for scband-rel-pos-embed-87900800680132 (READ-ONLY COPY).

The authoritative reference and input builder live on the scoring server;
editing this copy changes nothing except your own understanding.
"""

import jax, jax.numpy as jnp
import numpy as np


def tuplify(x):
    if isinstance(x, int):
        return (x, x)
    return tuple(x)


def get_n_rel_distance(window_size, class_token=True):
    ws = tuplify(window_size)
    n_rel_distance = (2 * ws[0] - 1) * (2 * ws[1] - 1)
    return n_rel_distance + 3 if class_token else n_rel_distance


def get_rel_pos_ind(window_size, class_token=True):
    window_h, window_w = tuplify(window_size)
    coords_h = jnp.arange(window_h)
    coords_w = jnp.arange(window_w)
    coords = jnp.meshgrid(coords_h, coords_w, indexing='ij')
    coords = jnp.stack(coords)
    coords = coords.reshape(len(coords), -1)
    rel_coords = coords[:, :, None] - coords[:, None, :]
    rel_coords = jnp.transpose(rel_coords, (1, 2, 0))
    rel_coords = rel_coords.at[:, :, 0].set(rel_coords[:, :, 0] + window_h - 1)
    rel_coords = rel_coords.at[:, :, 1].set(rel_coords[:, :, 1] + window_w - 1)
    rel_coords = rel_coords.at[:, :, 0].set(rel_coords[:, :, 0] * (2 * window_w - 1))
    if not class_token:
        return jnp.sum(rel_coords, -1)
    # NOTE: original code calls get_n_rel_distance(window_h, window_w); since
    # window_w is truthy this behaves as class_token=True with a square window,
    # identical to the correct value for square windows.
    n_rel_distance = get_n_rel_distance(window_h, True)
    area = window_h * window_w
    rel_pos_ind = jnp.zeros((area + 1, area + 1), dtype=jnp.int32)
    rel_pos_ind = rel_pos_ind.at[1:, 1:].set(jnp.sum(rel_coords, -1))
    rel_pos_ind = rel_pos_ind.at[0, 0:].set(n_rel_distance - 3)
    rel_pos_ind = rel_pos_ind.at[0:, 0].set(n_rel_distance - 2)
    rel_pos_ind = rel_pos_ind.at[0, 0].set(n_rel_distance - 1)
    return rel_pos_ind


N_HEADS = 16
WINDOW_SIZE = 14
CLASS_TOKEN = True
BATCH = 64
L = WINDOW_SIZE * WINDOW_SIZE + (1 if CLASS_TOKEN else 0)  # 197
N_REL = get_n_rel_distance(WINDOW_SIZE, CLASS_TOKEN)  # 732


def setup_inputs(seed: int = 0) -> dict:
    key = jax.random.key(seed)
    k1, k2 = jax.random.split(key)
    inp = jax.random.normal(k1, (BATCH, N_HEADS, L, L), dtype=jnp.float32)
    rel_pos_table = jax.random.normal(k2, (N_REL, N_HEADS), dtype=jnp.float32) * 0.02
    return {"input": inp, "rel_pos_table": rel_pos_table}


def reference(input, rel_pos_table):
    rel_pos_ind = get_rel_pos_ind(WINDOW_SIZE, CLASS_TOKEN)  # [L, L] int
    # embedding lookup: gather table rows by rel_pos_ind -> [L, L, n_heads]
    rel_pos_bias = jnp.take(rel_pos_table, rel_pos_ind, axis=0)
    rel_pos_bias = jnp.transpose(rel_pos_bias, (2, 0, 1))  # [n_heads, L, L]
    return input + rel_pos_bias

if __name__ == "__main__":
    import jax
    _d = setup_inputs()
    print(jax.jit(kernel)(*tuple(_d.values())))

</pallas_src>

<mosaic_0001>
#map = affine_map<(d0, d1) -> (0)>
#map1 = affine_map<(d0, d1) -> (0, 0, 0)>
module attributes {stable_mosaic.version = 14 : i64} {
  func.func @bias_kernel(%arg0: i32, %arg1: i32, %arg2: memref<11712xf32, #tpu.memory_space<hbm>>, %arg3: memref<197x1x208xi32, #tpu.memory_space<hbm>>, %arg4: memref<197x16x208xf32, #tpu.memory_space<hbm>>, %arg5: memref<11712xf32, #tpu.memory_space<vmem>>, %arg6: memref<7x1x208xi32, #tpu.memory_space<vmem>>, %arg7: memref<7x16x208xf32, #tpu.memory_space<vmem>>, %arg8: memref<!tpu.dma_semaphore, #tpu.memory_space<semaphore_mem>>, %arg9: memref<!tpu.dma_semaphore, #tpu.memory_space<semaphore_mem>>) attributes {dimension_semantics = [#tpu.dimension_semantics<core_parallel>, #tpu.dimension_semantics<subcore_parallel>], iteration_bounds = array<i64: 2, 16>, scalar_prefetch = 0 : i64, scratch_operands = 5 : i64, tpu.core_type = #tpu.core_type<sc_vector_subcore>, window_params = [{transform_indices = #map}, {transform_indices = #map1}, {transform_indices = #map1}]} {
    %mul3A = arith.constant 2 : i32
    %mul3A_0 = arith.muli %arg1, %mul3A : i32
    %add3A = arith.addi %mul3A_0, %arg0 : i32
    %mul3A_1 = arith.constant 7 : i32
    %mul3A_2 = arith.muli %add3A, %mul3A_1 : i32
    %min3A = arith.constant 190 : i32
    %min3A_3 = arith.minsi %mul3A_2, %min3A : i32
    tpu.enqueue_dma source(%arg2 : memref<11712xf32, #tpu.memory_space<hbm>>) target(%arg5 : memref<11712xf32, #tpu.memory_space<vmem>>) target_semaphore(%arg8 : memref<!tpu.dma_semaphore, #tpu.memory_space<semaphore_mem>>)
    %dma_start3A = arith.constant 0 : i32
    %dma_start3A_4 = arith.constant 0 : i32
    %dma_start3A_5 = tpu.memref_slice %arg3[%min3A_3, %dma_start3A, %dma_start3A_4] : memref<197x1x208xi32, #tpu.memory_space<hbm>> -> memref<7x1x208xi32, #tpu.memory_space<hbm>>
    %dma_start3A_6 = arith.constant 0 : i32
    %dma_start3A_7 = arith.constant 0 : i32
    %dma_start3A_8 = tpu.memref_slice %arg3[%min3A_3, %dma_start3A_6, %dma_start3A_7] : memref<197x1x208xi32, #tpu.memory_space<hbm>> -> memref<7x1x208xi32, #tpu.memory_space<hbm>>
    tpu.enqueue_dma source(%dma_start3A_8 : memref<7x1x208xi32, #tpu.memory_space<hbm>>) target(%arg6 : memref<7x1x208xi32, #tpu.memory_space<vmem>>) target_semaphore(%arg9 : memref<!tpu.dma_semaphore, #tpu.memory_space<semaphore_mem>>)
    %dma_wait3A = arith.constant 0 : i32
    %dma_wait3A_9 = arith.constant 0 : i32
    %dma_wait3A_10 = tpu.memref_slice %arg3[%min3A_3, %dma_wait3A, %dma_wait3A_9] : memref<197x1x208xi32, #tpu.memory_space<hbm>> -> memref<7x1x208xi32, #tpu.memory_space<hbm>>
    %dma_wait3A_11 = arith.constant 0 : i32
    %dma_wait3A_12 = arith.constant 0 : i32
    %dma_wait3A_13 = tpu.memref_slice %arg3[%min3A_3, %dma_wait3A_11, %dma_wait3A_12] : memref<197x1x208xi32, #tpu.memory_space<hbm>> -> memref<7x1x208xi32, #tpu.memory_space<hbm>>
    tpu.wait_dma2 semaphore(%arg9 : memref<!tpu.dma_semaphore, #tpu.memory_space<semaphore_mem>>) src(%dma_wait3A_13 : memref<7x1x208xi32, #tpu.memory_space<hbm>>) dst(%arg6 : memref<7x1x208xi32, #tpu.memory_space<vmem>>)
    tpu.wait_dma2 semaphore(%arg8 : memref<!tpu.dma_semaphore, #tpu.memory_space<semaphore_mem>>) src(%arg2 : memref<11712xf32, #tpu.memory_space<hbm>>) dst(%arg5 : memref<11712xf32, #tpu.memory_space<vmem>>)
    %scan3A = arith.constant 0 : i32
    %scan3A_14 = arith.constant 0 : i32
    %scan3A_15 = arith.constant 7 : i32
    %scan3A_16 = arith.addi %scan3A_14, %scan3A_15 : i32
    %scan3A_17 = arith.constant 1 : i32
    scf.for %scan3A_19 = %scan3A_14 to %scan3A_16 step %scan3A_17  : i32 {
      %get3A = arith.constant 0 : i32
      %get3A_20 = arith.index_cast %scan3A_19 : i32 to index
      %get3A_21 = arith.index_cast %get3A : i32 to index
      %get3A_22 = arith.constant 0 : index
      %get3A_23 = tpu.vector_load %arg6[%get3A_20, %get3A_21, %get3A_22] {strides = array<i32>} : memref<7x1x208xi32, #tpu.memory_space<vmem>>, vector<16xi32>,
      %mul3A_24 = arith.constant 16 : i32
      %mul3A_25 = vector.broadcast %mul3A_24 : i32 to vector<16xi32>
      %mul3A_26 = arith.muli %get3A_23, %mul3A_25 : vector<16xi32>
      %get3A_27 = arith.constant 0 : i32
      %get3A_28 = arith.index_cast %scan3A_19 : i32 to index
      %get3A_29 = arith.index_cast %get3A_27 : i32 to index
      %get3A_30 = arith.constant 16 : index
      %get3A_31 = tpu.vector_load %arg6[%get3A_28, %get3A_29, %get3A_30] {strides = array<i32>} : memref<7x1x208xi32, #tpu.memory_space<vmem>>, vector<16xi32>,
      %mul3A_32 = arith.constant 16 : i32
      %mul3A_33 = vector.broadcast %mul3A_32 : i32 to vector<16xi32>
      %mul3A_34 = arith.muli %get3A_31, %mul3A_33 : vector<16xi32>
      %get3A_35 = arith.constant 0 : i32
      %get3A_36 = arith.index_cast %scan3A_19 : i32 to index
      %get3A_37 = arith.index_cast %get3A_35 : i32 to index
      %get3A_38 = arith.constant 32 : index
      %get3A_39 = tpu.vector_load %arg6[%get3A_36, %get3A_37, %get3A_38] {strides = array<i32>} : memref<7x1x208xi32, #tpu.memory_space<vmem>>, vector<16xi32>,
      %mul3A_40 = arith.constant 16 : i32
      %mul3A_41 = vector.broadcast %mul3A_40 : i32 to vector<16xi32>
      %mul3A_42 = arith.muli %get3A_39, %mul3A_41 : vector<16xi32>
      %get3A_43 = arith.constant 0 : i32
      %get3A_44 = arith.index_cast %scan3A_19 : i32 to index
      %get3A_45 = arith.index_cast %get3A_43 : i32 to index
      %get3A_46 = arith.constant 48 : index
      %get3A_47 = tpu.vector_load %arg6[%get3A_44, %get3A_45, %get3A_46] {strides = array<i32>} : memref<7x1x208xi32, #tpu.memory_space<vmem>>, vector<16xi32>,
      %mul3A_48 = arith.constant 16 : i32
      %mul3A_49 = vector.broadcast %mul3A_48 : i32 to vector<16xi32>
      %mul3A_50 = arith.muli %get3A_47, %mul3A_49 : vector<16xi32>
      %get3A_51 = arith.constant 0 : i32
      %get3A_52 = arith.index_cast %scan3A_19 : i32 to index
      %get3A_53 = arith.index_cast %get3A_51 : i32 to index
      %get3A_54 = arith.constant 64 : index
      %get3A_55 = tpu.vector_load %arg6[%get3A_52, %get3A_53, %get3A_54] {strides = array<i32>} : memref<7x1x208xi32, #tpu.memory_space<vmem>>, vector<16xi32>,
      %mul3A_56 = arith.constant 16 : i32
      %mul3A_57 = vector.broadcast %mul3A_56 : i32 to vector<16xi32>
      %mul3A_58 = arith.muli %get3A_55, %mul3A_57 : vector<16xi32>
      %get3A_59 = arith.constant 0 : i32
      %get3A_60 = arith.index_cast %scan3A_19 : i32 to index
      %get3A_61 = arith.index_cast %get3A_59 : i32 to index
      %get3A_62 = arith.constant 80 : index
      %get3A_63 = tpu.vector_load %arg6[%get3A_60, %get3A_61, %get3A_62] {strides = array<i32>} : memref<7x1x208xi32, #tpu.memory_space<vmem>>, vector<16xi32>,
      %mul3A_64 = arith.constant 16 : i32
      %mul3A_65 = vector.broadcast %mul3A_64 : i32 to vector<16xi32>
      %mul3A_66 = arith.muli %get3A_63, %mul3A_65 : vector<16xi32>
      %get3A_67 = arith.constant 0 : i32
      %get3A_68 = arith.index_cast %scan3A_19 : i32 to index
      %get3A_69 = arith.index_cast %get3A_67 : i32 to index
      %get3A_70 = arith.constant 96 : index
      %get3A_71 = tpu.vector_load %arg6[%get3A_68, %get3A_69, %get3A_70] {strides = array<i32>} : memref<7x1x208xi32, #tpu.memory_space<vmem>>, vector<16xi32>,
      %mul3A_72 = arith.constant 16 : i32
      %mul3A_73 = vector.broadcast %mul3A_72 : i32 to vector<16xi32>
      %mul3A_74 = arith.muli %get3A_71, %mul3A_73 : vector<16xi32>
      %get3A_75 = arith.constant 0 : i32
      %get3A_76 = arith.index_cast %scan3A_19 : i32 to index
      %get3A_77 = arith.index_cast %get3A_75 : i32 to index
      %get3A_78 = arith.constant 112 : index
      %get3A_79 = tpu.vector_load %arg6[%get3A_76, %get3A_77, %get3A_78] {strides = array<i32>} : memref<7x1x208xi32, #tpu.memory_space<vmem>>, vector<16xi32>,
      %mul3A_80 = arith.constant 16 : i32
      %mul3A_81 = vector.broadcast %mul3A_80 : i32 to vector<16xi32>
      %mul3A_82 = arith.muli %get3A_79, %mul3A_81 : vector<16xi32>
      %get3A_83 = arith.constant 0 : i32
      %get3A_84 = arith.index_cast %scan3A_19 : i32 to index
      %get3A_85 = arith.index_cast %get3A_83 : i32 to index
      %get3A_86 = arith.constant 128 : index
      %get3A_87 = tpu.vector_load %arg6[%get3A_84, %get3A_85, %get3A_86] {strides = array<i32>} : memref<7x1x208xi32, #tpu.memory_space<vmem>>, vector<16xi32>,
      %mul3A_88 = arith.constant 16 : i32
      %mul3A_89 = vector.broadcast %mul3A_88 : i32 to vector<16xi32>
      %mul3A_90 = arith.muli %get3A_87, %mul3A_89 : vector<16xi32>
      %get3A_91 = arith.constant 0 : i32
      %get3A_92 = arith.index_cast %scan3A_19 : i32 to index
      %get3A_93 = arith.index_cast %get3A_91 : i32 to index
      %get3A_94 = arith.constant 144 : index
      %get3A_95 = tpu.vector_load %arg6[%get3A_92, %get3A_93, %get3A_94] {strides = array<i32>} : memref<7x1x208xi32, #tpu.memory_space<vmem>>, vector<16xi32>,
      %mul3A_96 = arith.constant 16 : i32
      %mul3A_97 = vector.broadcast %mul3A_96 : i32 to vector<16xi32>
      %mul3A_98 = arith.muli %get3A_95, %mul3A_97 : vector<16xi32>
      %get3A_99 = arith.constant 0 : i32
      %get3A_100 = arith.index_cast %scan3A_19 : i32 to index
      %get3A_101 = arith.index_cast %get3A_99 : i32 to index
      %get3A_102 = arith.constant 160 : index
      %get3A_103 = tpu.vector_load %arg6[%get3A_100, %get3A_101, %get3A_102] {strides = array<i32>} : memref<7x1x208xi32, #tpu.memory_space<vmem>>, vector<16xi32>,
      %mul3A_104 = arith.constant 16 : i32
      %mul3A_105 = vector.broadcast %mul3A_104 : i32 to vector<16xi32>
      %mul3A_106 = arith.muli %get3A_103, %mul3A_105 : vector<16xi32>
      %get3A_107 = arith.constant 0 : i32
      %get3A_108 = arith.index_cast %scan3A_19 : i32 to index
      %get3A_109 = arith.index_cast %get3A_107 : i32 to index
      %get3A_110 = arith.constant 176 : index
      %get3A_111 = tpu.vector_load %arg6[%get3A_108, %get3A_109, %get3A_110] {strides = array<i32>} : memref<7x1x208xi32, #tpu.memory_space<vmem>>, vector<16xi32>,
      %mul3A_112 = arith.constant 16 : i32
      %mul3A_113 = vector.broadcast %mul3A_112 : i32 to vector<16xi32>
      %mul3A_114 = arith.muli %get3A_111, %mul3A_113 : vector<16xi32>
      %get3A_115 = arith.constant 0 : i32
      %get3A_116 = arith.index_cast %scan3A_19 : i32 to index
      %get3A_117 = arith.index_cast %get3A_115 : i32 to index
      %get3A_118 = arith.constant 192 : index
      %get3A_119 = tpu.vector_load %arg6[%get3A_116, %get3A_117, %get3A_118] {strides = array<i32>} : memref<7x1x208xi32, #tpu.memory_space<vmem>>, vector<16xi32>,
      %mul3A_120 = arith.constant 16 : i32
      %mul3A_121 = vector.broadcast %mul3A_120 : i32 to vector<16xi32>
      %mul3A_122 = arith.muli %get3A_119, %mul3A_121 : vector<16xi32>
      %parallel_loop3A = arith.constant 0 : i32
      %parallel_loop3A_123 = arith.constant 16 : i32
      %parallel_loop3A_124 = arith.constant 1 : i32
      scf.for %parallel_loop3A_125 = %parallel_loop3A to %parallel_loop3A_123 step %parallel_loop3A_124  : i32 {
        %parallel_loop3A_126 = vector.broadcast %parallel_loop3A_125 : i32 to vector<16xi32>
        %parallel_loop3A_127 = arith.addi %mul3A_26, %parallel_loop3A_126 : vector<16xi32>
        %parallel_loop3A_128 = tpu.vector_load_idx %arg5[%parallel_loop3A_127] : memref<11712xf32, #tpu.memory_space<vmem>>[vector<16xi32>], vector<16xf32>,
        %parallel_loop3A_129 = arith.index_cast %scan3A_19 : i32 to index
        %parallel_loop3A_130 = arith.index_cast %parallel_loop3A_125 : i32 to index
        %parallel_loop3A_131 = arith.constant 0 : index
        %parallel_loop3A_132 = tpu.vector_load %arg7[%parallel_loop3A_129, %parallel_loop3A_130, %parallel_loop3A_131] {strides = array<i32>} : memref<7x16x208xf32, #tpu.memory_space<vmem>>, vector<16xf32>,
        tpu.vector_store %arg7[%parallel_loop3A_129, %parallel_loop3A_130, %parallel_loop3A_131], %parallel_loop3A_128 {strides = array<i32>} : memref<7x16x208xf32, #tpu.memory_space<vmem>>, vector<16xf32>,
        %parallel_loop3A_133 = vector.broadcast %parallel_loop3A_125 : i32 to vector<16xi32>
        %parallel_loop3A_134 = arith.addi %mul3A_34, %parallel_loop3A_133 : vector<16xi32>
        %parallel_loop3A_135 = tpu.vector_load_idx %arg5[%parallel_loop3A_134] : memref<11712xf32, #tpu.memory_space<vmem>>[vector<16xi32>], vector<16xf32>,
        %parallel_loop3A_136 = arith.index_cast %scan3A_19 : i32 to index
        %parallel_loop3A_137 = arith.index_cast %parallel_loop3A_125 : i32 to index
        %parallel_loop3A_138 = arith.constant 16 : index
        %parallel_loop3A_139 = tpu.vector_load %arg7[%parallel_loop3A_136, %parallel_loop3A_137, %parallel_loop3A_138] {strides = array<i32>} : memref<7x16x208xf32, #tpu.memory_space<vmem>>, vector<16xf32>,
        tpu.vector_store %arg7[%parallel_loop3A_136, %parallel_loop3A_137, %parallel_loop3A_138], %parallel_loop3A_135 {strides = array<i32>} : memref<7x16x208xf32, #tpu.memory_space<vmem>>, vector<16xf32>,
        %parallel_loop3A_140 = vector.broadcast %parallel_loop3A_125 : i32 to vector<16xi32>
        %parallel_loop3A_141 = arith.addi %mul3A_42, %parallel_loop3A_140 : vector<16xi32>
        %parallel_loop3A_142 = tpu.vector_load_idx %arg5[%parallel_loop3A_141] : memref<11712xf32, #tpu.memory_space<vmem>>[vector<16xi32>], vector<16xf32>,
        %parallel_loop3A_143 = arith.index_cast %scan3A_19 : i32 to index
        %parallel_loop3A_144 = arith.index_cast %parallel_loop3A_125 : i32 to index
        %parallel_loop3A_145 = arith.constant 32 : index
        %parallel_loop3A_146 = tpu.vector_load %arg7[%parallel_loop3A_143, %parallel_loop3A_144, %parallel_loop3A_145] {strides = array<i32>} : memref<7x16x208xf32, #tpu.memory_space<vmem>>, vector<16xf32>,
        tpu.vector_store %arg7[%parallel_loop3A_143, %parallel_loop3A_144, %parallel_loop3A_145], %parallel_loop3A_142 {strides = array<i32>} : memref<7x16x208xf32, #tpu.memory_space<vmem>>, vector<16xf32>,
        %parallel_loop3A_147 = vector.broadcast %parallel_loop3A_125 : i32 to vector<16xi32>
        %parallel_loop3A_148 = arith.addi %mul3A_50, %parallel_loop3A_147 : vector<16xi32>
        %parallel_loop3A_149 = tpu.vector_load_idx %arg5[%parallel_loop3A_148] : memref<11712xf32, #tpu.memory_space<vmem>>[vector<16xi32>], vector<16xf32>,
        %parallel_loop3A_150 = arith.index_cast %scan3A_19 : i32 to index
        %parallel_loop3A_151 = arith.index_cast %parallel_loop3A_125 : i32 to index
        %parallel_loop3A_152 = arith.constant 48 : index
        %parallel_loop3A_153 = tpu.vector_load %arg7[%parallel_loop3A_150, %parallel_loop3A_151, %parallel_loop3A_152] {strides = array<i32>} : memref<7x16x208xf32, #tpu.memory_space<vmem>>, vector<16xf32>,
        tpu.vector_store %arg7[%parallel_loop3A_150, %parallel_loop3A_151, %parallel_loop3A_152], %parallel_loop3A_149 {strides = array<i32>} : memref<7x16x208xf32, #tpu.memory_space<vmem>>, vector<16xf32>,
        %parallel_loop3A_154 = vector.broadcast %parallel_loop3A_125 : i32 to vector<16xi32>
        %parallel_loop3A_155 = arith.addi %mul3A_58, %parallel_loop3A_154 : vector<16xi32>
        %parallel_loop3A_156 = tpu.vector_load_idx %arg5[%parallel_loop3A_155] : memref<11712xf32, #tpu.memory_space<vmem>>[vector<16xi32>], vector<16xf32>,
        %parallel_loop3A_157 = arith.index_cast %scan3A_19 : i32 to index
        %parallel_loop3A_158 = arith.index_cast %parallel_loop3A_125 : i32 to index
        %parallel_loop3A_159 = arith.constant 64 : index
        %parallel_loop3A_160 = tpu.vector_load %arg7[%parallel_loop3A_157, %parallel_loop3A_158, %parallel_loop3A_159] {strides = array<i32>} : memref<7x16x208xf32, #tpu.memory_space<vmem>>, vector<16xf32>,
        tpu.vector_store %arg7[%parallel_loop3A_157, %parallel_loop3A_158, %parallel_loop3A_159], %parallel_loop3A_156 {strides = array<i32>} : memref<7x16x208xf32, #tpu.memory_space<vmem>>, vector<16xf32>,
        %parallel_loop3A_161 = vector.broadcast %parallel_loop3A_125 : i32 to vector<16xi32>
        %parallel_loop3A_162 = arith.addi %mul3A_66, %parallel_loop3A_161 : vector<16xi32>
        %parallel_loop3A_163 = tpu.vector_load_idx %arg5[%parallel_loop3A_162] : memref<11712xf32, #tpu.memory_space<vmem>>[vector<16xi32>], vector<16xf32>,
        %parallel_loop3A_164 = arith.index_cast %scan3A_19 : i32 to index
        %parallel_loop3A_165 = arith.index_cast %parallel_loop3A_125 : i32 to index
        %parallel_loop3A_166 = arith.constant 80 : index
        %parallel_loop3A_167 = tpu.vector_load %arg7[%parallel_loop3A_164, %parallel_loop3A_165, %parallel_loop3A_166] {strides = array<i32>} : memref<7x16x208xf32, #tpu.memory_space<vmem>>, vector<16xf32>,
        tpu.vector_store %arg7[%parallel_loop3A_164, %parallel_loop3A_165, %parallel_loop3A_166], %parallel_loop3A_163 {strides = array<i32>} : memref<7x16x208xf32, #tpu.memory_space<vmem>>, vector<16xf32>,
        %parallel_loop3A_168 = vector.broadcast %parallel_loop3A_125 : i32 to vector<16xi32>
        %parallel_loop3A_169 = arith.addi %mul3A_74, %parallel_loop3A_168 : vector<16xi32>
        %parallel_loop3A_170 = tpu.vector_load_idx %arg5[%parallel_loop3A_169] : memref<11712xf32, #tpu.memory_space<vmem>>[vector<16xi32>], vector<16xf32>,
        %parallel_loop3A_171 = arith.index_cast %scan3A_19 : i32 to index
        %parallel_loop3A_172 = arith.index_cast %parallel_loop3A_125 : i32 to index
        %parallel_loop3A_173 = arith.constant 96 : index
        %parallel_loop3A_174 = tpu.vector_load %arg7[%parallel_loop3A_171, %parallel_loop3A_172, %parallel_loop3A_173] {strides = array<i32>} : memref<7x16x208xf32, #tpu.memory_space<vmem>>, vector<16xf32>,
        tpu.vector_store %arg7[%parallel_loop3A_171, %parallel_loop3A_172, %parallel_loop3A_173], %parallel_loop3A_170 {strides = array<i32>} : memref<7x16x208xf32, #tpu.memory_space<vmem>>, vector<16xf32>,
        %parallel_loop3A_175 = vector.broadcast %parallel_loop3A_125 : i32 to vector<16xi32>
        %parallel_loop3A_176 = arith.addi %mul3A_82, %parallel_loop3A_175 : vector<16xi32>
        %parallel_loop3A_177 = tpu.vector_load_idx %arg5[%parallel_loop3A_176] : memref<11712xf32, #tpu.memory_space<vmem>>[vector<16xi32>], vector<16xf32>,
        %parallel_loop3A_178 = arith.index_cast %scan3A_19 : i32 to index
        %parallel_loop3A_179 = arith.index_cast %parallel_loop3A_125 : i32 to index
        %parallel_loop3A_180 = arith.constant 112 : index
        %parallel_loop3A_181 = tpu.vector_load %arg7[%parallel_loop3A_178, %parallel_loop3A_179, %parallel_loop3A_180] {strides = array<i32>} : memref<7x16x208xf32, #tpu.memory_space<vmem>>, vector<16xf32>,
        tpu.vector_store %arg7[%parallel_loop3A_178, %parallel_loop3A_179, %parallel_loop3A_180], %parallel_loop3A_177 {strides = array<i32>} : memref<7x16x208xf32, #tpu.memory_space<vmem>>, vector<16xf32>,
        %parallel_loop3A_182 = vector.broadcast %parallel_loop3A_125 : i32 to vector<16xi32>
        %parallel_loop3A_183 = arith.addi %mul3A_90, %parallel_loop3A_182 : vector<16xi32>
        %parallel_loop3A_184 = tpu.vector_load_idx %arg5[%parallel_loop3A_183] : memref<11712xf32, #tpu.memory_space<vmem>>[vector<16xi32>], vector<16xf32>,
        %parallel_loop3A_185 = arith.index_cast %scan3A_19 : i32 to index
        %parallel_loop3A_186 = arith.index_cast %parallel_loop3A_125 : i32 to index
        %parallel_loop3A_187 = arith.constant 128 : index
        %parallel_loop3A_188 = tpu.vector_load %arg7[%parallel_loop3A_185, %parallel_loop3A_186, %parallel_loop3A_187] {strides = array<i32>} : memref<7x16x208xf32, #tpu.memory_space<vmem>>, vector<16xf32>,
        tpu.vector_store %arg7[%parallel_loop3A_185, %parallel_loop3A_186, %parallel_loop3A_187], %parallel_loop3A_184 {strides = array<i32>} : memref<7x16x208xf32, #tpu.memory_space<vmem>>, vector<16xf32>,
        %parallel_loop3A_189 = vector.broadcast %parallel_loop3A_125 : i32 to vector<16xi32>
        %parallel_loop3A_190 = arith.addi %mul3A_98, %parallel_loop3A_189 : vector<16xi32>
        %parallel_loop3A_191 = tpu.vector_load_idx %arg5[%parallel_loop3A_190] : memref<11712xf32, #tpu.memory_space<vmem>>[vector<16xi32>], vector<16xf32>,
        %parallel_loop3A_192 = arith.index_cast %scan3A_19 : i32 to index
        %parallel_loop3A_193 = arith.index_cast %parallel_loop3A_125 : i32 to index
        %parallel_loop3A_194 = arith.constant 144 : index
        %parallel_loop3A_195 = tpu.vector_load %arg7[%parallel_loop3A_192, %parallel_loop3A_193, %parallel_loop3A_194] {strides = array<i32>} : memref<7x16x208xf32, #tpu.memory_space<vmem>>, vector<16xf32>,
        tpu.vector_store %arg7[%parallel_loop3A_192, %parallel_loop3A_193, %parallel_loop3A_194], %parallel_loop3A_191 {strides = array<i32>} : memref<7x16x208xf32, #tpu.memory_space<vmem>>, vector<16xf32>,
        %parallel_loop3A_196 = vector.broadcast %parallel_loop3A_125 : i32 to vector<16xi32>
        %parallel_loop3A_197 = arith.addi %mul3A_106, %parallel_loop3A_196 : vector<16xi32>
        %parallel_loop3A_198 = tpu.vector_load_idx %arg5[%parallel_loop3A_197] : memref<11712xf32, #tpu.memory_space<vmem>>[vector<16xi32>], vector<16xf32>,
        %parallel_loop3A_199 = arith.index_cast %scan3A_19 : i32 to index
        %parallel_loop3A_200 = arith.index_cast %parallel_loop3A_125 : i32 to index
        %parallel_loop3A_201 = arith.constant 160 : index
        %parallel_loop3A_202 = tpu.vector_load %arg7[%parallel_loop3A_199, %parallel_loop3A_200, %parallel_loop3A_201] {strides = array<i32>} : memref<7x16x208xf32, #tpu.memory_space<vmem>>, vector<16xf32>,
        tpu.vector_store %arg7[%parallel_loop3A_199, %parallel_loop3A_200, %parallel_loop3A_201], %parallel_loop3A_198 {strides = array<i32>} : memref<7x16x208xf32, #tpu.memory_space<vmem>>, vector<16xf32>,
        %parallel_loop3A_203 = vector.broadcast %parallel_loop3A_125 : i32 to vector<16xi32>
        %parallel_loop3A_204 = arith.addi %mul3A_114, %parallel_loop3A_203 : vector<16xi32>
        %parallel_loop3A_205 = tpu.vector_load_idx %arg5[%parallel_loop3A_204] : memref<11712xf32, #tpu.memory_space<vmem>>[vector<16xi32>], vector<16xf32>,
        %parallel_loop3A_206 = arith.index_cast %scan3A_19 : i32 to index
        %parallel_loop3A_207 = arith.index_cast %parallel_loop3A_125 : i32 to index
        %parallel_loop3A_208 = arith.constant 176 : index
        %parallel_loop3A_209 = tpu.vector_load %arg7[%parallel_loop3A_206, %parallel_loop3A_207, %parallel_loop3A_208] {strides = array<i32>} : memref<7x16x208xf32, #tpu.memory_space<vmem>>, vector<16xf32>,
        tpu.vector_store %arg7[%parallel_loop3A_206, %parallel_loop3A_207, %parallel_loop3A_208], %parallel_loop3A_205 {strides = array<i32>} : memref<7x16x208xf32, #tpu.memory_space<vmem>>, vector<16xf32>,
        %parallel_loop3A_210 = vector.broadcast %parallel_loop3A_125 : i32 to vector<16xi32>
        %parallel_loop3A_211 = arith.addi %mul3A_122, %parallel_loop3A_210 : vector<16xi32>
        %parallel_loop3A_212 = tpu.vector_load_idx %arg5[%parallel_loop3A_211] : memref<11712xf32, #tpu.memory_space<vmem>>[vector<16xi32>], vector<16xf32>,
        %parallel_loop3A_213 = arith.index_cast %scan3A_19 : i32 to index
        %parallel_loop3A_214 = arith.index_cast %parallel_loop3A_125 : i32 to index
        %parallel_loop3A_215 = arith.constant 192 : index
        %parallel_loop3A_216 = tpu.vector_load %arg7[%parallel_loop3A_213, %parallel_loop3A_214, %parallel_loop3A_215] {strides = array<i32>} : memref<7x16x208xf32, #tpu.memory_space<vmem>>, vector<16xf32>,
        tpu.vector_store %arg7[%parallel_loop3A_213, %parallel_loop3A_214, %parallel_loop3A_215], %parallel_loop3A_212 {strides = array<i32>} : memref<7x16x208xf32, #tpu.memory_space<vmem>>, vector<16xf32>,
      } {sc.loop_unroll_factor = 4 : i64, sc.parallel_access}
    }
    %scan3A_18 = arith.constant 7 : i32
    "tpu.region"() ({
      %run_scoped3A = tpu.sem_alloc : memref<!tpu.dma_semaphore, #tpu.memory_space<semaphore_mem>>
      %dma_start3A_19 = arith.constant 0 : i32
      %dma_start3A_20 = arith.constant 0 : i32
      %dma_start3A_21 = tpu.memref_slice %arg4[%min3A_3, %dma_start3A_19, %dma_start3A_20] : memref<197x16x208xf32, #tpu.memory_space<hbm>> -> memref<7x16x208xf32, #tpu.memory_space<hbm>>
      %dma_start3A_22 = arith.constant 0 : i32
      %dma_start3A_23 = arith.constant 0 : i32
      %dma_start3A_24 = tpu.memref_slice %arg4[%min3A_3, %dma_start3A_22, %dma_start3A_23] : memref<197x16x208xf32, #tpu.memory_space<hbm>> -> memref<7x16x208xf32, #tpu.memory_space<hbm>>
      tpu.enqueue_dma source(%arg7 : memref<7x16x208xf32, #tpu.memory_space<vmem>>) target(%dma_start3A_24 : memref<7x16x208xf32, #tpu.memory_space<hbm>>) target_semaphore(%run_scoped3A : memref<!tpu.dma_semaphore, #tpu.memory_space<semaphore_mem>>)
      %dma_wait3A_25 = arith.constant 0 : i32
      %dma_wait3A_26 = arith.constant 0 : i32
      %dma_wait3A_27 = tpu.memref_slice %arg4[%min3A_3, %dma_wait3A_25, %dma_wait3A_26] : memref<197x16x208xf32, #tpu.memory_space<hbm>> -> memref<7x16x208xf32, #tpu.memory_space<hbm>>
      %dma_wait3A_28 = arith.constant 0 : i32
      %dma_wait3A_29 = arith.constant 0 : i32
      %dma_wait3A_30 = tpu.memref_slice %arg4[%min3A_3, %dma_wait3A_28, %dma_wait3A_29] : memref<197x16x208xf32, #tpu.memory_space<hbm>> -> memref<7x16x208xf32, #tpu.memory_space<hbm>>
      tpu.wait_dma2 semaphore(%run_scoped3A : memref<!tpu.dma_semaphore, #tpu.memory_space<semaphore_mem>>) src(%arg7 : memref<7x16x208xf32, #tpu.memory_space<vmem>>) dst(%dma_wait3A_30 : memref<7x16x208xf32, #tpu.memory_space<hbm>>)
      tpu.yield
    }) : () -> ()
    return
  }
}

module attributes {stable_mosaic.version = 14 : i64} {
  func.func @_add_body(%arg0: i32, %arg1: memref<197x16x208xf32, #tpu.memory_space<vmem>>, %arg2: memref<2x197x16x197xf32, #tpu.memory_space<vmem>>, %arg3: memref<2x197x16x197xf32, #tpu.memory_space<vmem>>) attributes {dimension_semantics = [#tpu.dimension_semantics<arbitrary>], iteration_bounds = array<i64: 32>, scalar_prefetch = 0 : i64, scratch_operands = 0 : i64, tpu.core_type = #tpu.core_type<tc>, window_params = [{pipeline_mode = #tpu.pipeline_mode<synchronous>, transform_indices = @transform_0, window_bounds = array<i64: 197, 16, 208>}, {transform_indices = @transform_1, window_bounds = array<i64: 2, 197, 16, 197>}, {transform_indices = @transform_2, window_bounds = array<i64: 2, 197, 16, 197>}]} {
    %get3A = arith.constant 0 : index
    %get3A_0 = arith.constant 0 : index
    %get3A_1 = arith.constant 0 : index
    %get3A_2 = arith.constant 0 : index
    %get3A_3 = vector.load %arg2[%get3A, %get3A_0, %get3A_1, %get3A_2] : memref<2x197x16x197xf32, #tpu.memory_space<vmem>>, vector<2x197x16x197xf32>
    %get3A_4 = arith.constant 0 : index
    %get3A_5 = arith.constant 0 : index
    %get3A_6 = arith.constant 0 : index
    %get3A_7 = vector.load %arg1[%get3A_4, %get3A_5, %get3A_6] : memref<197x16x208xf32, #tpu.memory_space<vmem>>, vector<197x16x197xf32>
    %broadcast_in_dim3A = vector.shape_cast %get3A_7 : vector<197x16x197xf32> to vector<1x197x16x197xf32>
    %add3A = vector.broadcast %broadcast_in_dim3A : vector<1x197x16x197xf32> to vector<2x197x16x197xf32>
    %add3A_8 = arith.addf %get3A_3, %add3A : vector<2x197x16x197xf32>
    %swap3A = arith.constant 0 : index
    %swap3A_9 = arith.constant 0 : index
    %swap3A_10 = arith.constant 0 : index
    %swap3A_11 = arith.constant 0 : index
    %swap3A_12 = vector.load %arg3[%swap3A, %swap3A_9, %swap3A_10, %swap3A_11] : memref<2x197x16x197xf32, #tpu.memory_space<vmem>>, vector<2x197x16x197xf32>
    tpu.vector_store %arg3[%swap3A, %swap3A_9, %swap3A_10, %swap3A_11], %add3A_8 {strides = array<i32>} : memref<2x197x16x197xf32, #tpu.memory_space<vmem>>, vector<2x197x16x197xf32>,
    return
  }
  func.func @transform_0(%arg0: i32) -> (i32, i32, i32) {
    %c0_i32 = arith.constant 0 : i32
    %c0_i32_0 = arith.constant 0 : i32
    %c0_i32_1 = arith.constant 0 : i32
    %c0_i32_2 = arith.constant 0 : i32
    return %c0_i32, %c0_i32_0, %c0_i32_1 : i32, i32, i32
  }
  func.func @transform_1(%arg0: i32) -> (i32, i32, i32, i32) {
    %c0_i32 = arith.constant 0 : i32
    %c0_i32_0 = arith.constant 0 : i32
    %c0_i32_1 = arith.constant 0 : i32
    %c0_i32_2 = arith.constant 0 : i32
    return %arg0, %c0_i32, %c0_i32_0, %c0_i32_1 : i32, i32, i32, i32
  }
  func.func @transform_2(%arg0: i32) -> (i32, i32, i32, i32) {
    %c0_i32 = arith.constant 0 : i32
    %c0_i32_0 = arith.constant 0 : i32
    %c0_i32_1 = arith.constant 0 : i32
    %c0_i32_2 = arith.constant 0 : i32
    return %arg0, %c0_i32, %c0_i32_0, %c0_i32_1 : i32, i32, i32, i32
  }
}

</mosaic_0001>

<sc_bundles>
// kernel: kernel.4.cloned.1.call-start
scs
__scs_entry_jumppad:
0x0: {  	(pc) =	sbr.rel $0x88, $3  }
0x1: {  	(tag) =	ssettag $0x0;
	lr =	simm.s32 $0x1  }
0x2: {  	[smem:$0x3F9F] =	sst lr;
	_ =	strace $0xD0000000  }
0x3: {  	_ = 	snop  }
0x4: {  	_ = 	snop  }
0x5: {  	_ = 	snop  }
0x6: {  	_ = 	snop  }
0x7: {  	_ = 	snop  }
__scs_overlays_trampoline_lowered:
0x8: {  	[smem:$0x3FAE] =	sst s0  }
0x9: {  	[smem:$0x3FAF] =	sst s1  }
0xa: {  	[smem:$0x3FB0] =	sst s2  }
0xb: {  	[smem:$0x3FB1] =	sst s3  }
0xc: {  	[smem:$0x3FB2] =	sst s4  }
0xd: {  	[smem:$0x3FB3] =	sst s5  }
0xe: {  	[smem:$0x3FB4] =	sst s6  }
0xf: {  	[smem:$0x3FB5] =	sst s7  }
0x10: {  	[smem:$0x3FB6] =	sst s8  }
0x11: {  	[smem:$0x3FB7] =	sst s9;
	s0 =	simm.s32 @!p0 $0x0  }
0x12: {  	s1 =	sld [smem:$0x3F9D];
	s0 =	simm.s32 @p0 $0x1  }
0x13: {  	[smem:$0x3FB8] =	sst s0;
	s0 =	simm.s32 @!p1 $0x0  }
0x14: {  	s2 =	sld [smem:$0x3F9C];
	s0 =	simm.s32 @p1 $0x1  }
0x15: {  	[smem:$0x3FB9] =	sst s0;
	s0 =	simm.s32 @!p2 $0x0  }
0x16: {  	s3 =	sld [smem:$0x3FDB];
	s0 =	simm.s32 @p2 $0x1  }
0x17: {  	s4 =	simm.s32 $0x1BF5;
	[smem:$0x3FBB] =	sst s0  }
0x18: {  	s0 =	sld [smem:$0x3F9E];
	_ =	swait.ge [sflag:s4], $0x0  }
0x19: {  	s7 =	sld [smem:$0x3F9F]  }
0x1a: {  	s8 =	sadd.s32 $0xFFFFE003, lr  }
0x1b: {  	s9 =	sadd.s32 $0xFFFFFEF7, lr;
	s5 =	simm.s32 $0xFFFFFFFF;
	p2 =	slt.u32 s8, $0xFFFFF086  }
0x1c: {  	p1 =	slt.u32 s9, $0xF7A;
	s5 =	simm.s32 @!p2 $0x0  }
0x1d: {  	s5 =	simm.s32 @p1 $0x1;
	p0 =	seq.s32 s7, s2  }
0x1e: {  	s7 =	smul.u32 @!p0 $0xF7A, s2;
	p2 =	seq.s32 @!p0 s5, $0x0  }
0x1f: {  	s9 =	smul.u32 $0xF7A, s1;
	s8 =	simm.s32 @!p0 $0x1BF5;
	p2 =	por !p2, p0  }
0x20: {  	[sflag:s8] =	ssyncset.s32 @!p0 $0xFFFFF086;
	s6 =	sadd.s32 @!p0 s3, s7;
	s7 =	simm.s32 @!p0 $0x108  }
0x21: {  	s3 =	sadd.s32 s3, s9;
	s6 =	sadd.s32 @!p0 $0x88, s6;
	s7 =	simm.s32 @p2 $0x1082  }
0x22: {  	[simem:s7], [sflag:s8] =	dma.local @!p0 [hbm:s6], $0xF7A  }
0x23: {  	s9 =	sor.u32 $0xD0000000, s2;
	s6 =	simm.s32 $0x108;
	_ =	swait.ge @!p0 [sflag:s8], $0x0  }
0x24: {  	s3 =	sadd.s32 $0x88, s3;
	s6 =	simm.s32 @!p1 $0x1082;
	[sflag:s4] =	ssyncset.s32 $0xFFFFF086  }
0x25: {  	[simem:s6], [sflag:s4] =	dma.local [hbm:s3], $0xF7A  }
0x26: {  	[smem:$0x3F9F] =	sst s1;
	(tag) =	ssettag s2;
	_ =	strace s9  }
0x27: {  	s1 =	sld [smem:$0x3FAF]  }
0x28: {  	s2 =	sld [smem:$0x3FB0]  }
0x29: {  	s4 =	sld [smem:$0x3FB2]  }
0x2a: {  	p0 =	seq.s32 s5, $0x0;
	s5 =	sld [smem:$0x3FB3]  }
0x2b: {  	s6 =	sld [smem:$0x3FB4]  }
0x2c: {  	s7 =	sld [smem:$0x3FB5]  }
0x2d: {  	s3 =	simm.s32 $0x108;
	s8 =	sld [smem:$0x3FB6]  }
0x2e: {  	s3 =	simm.s32 @!p0 $0x1082;
	s9 =	sld [smem:$0x3FB7]  }
0x2f: {  	lr =	sadd.s32 s0, s3;
	s0 =	sld [smem:$0x3FAE]  }
0x30: {  	s3 =	sld [smem:$0x3FB1]  }
0x31: {  	[smem:$0x3FBA] =	sst s10  }
0x32: {  	s10 =	sld [smem:$0x3FB8];
	_ =	sdelay $0x3  }
0x33: {  	p0 =	seq.s32 s10, $0x1;
	s10 =	sld [smem:$0x3FBA];
	_ =	sdelay $0x3  }
0x34: {  	[smem:$0x3FBA] =	sst s10  }
0x35: {  	s10 =	sld [smem:$0x3FB9];
	_ =	sdelay $0x3  }
0x36: {  	p1 =	seq.s32 s10, $0x1;
	s10 =	sld [smem:$0x3FBA];
	_ =	sdelay $0x3  }
0x37: {  	[smem:$0x3FBA] =	sst s10  }
0x38: {  	s10 =	sld [smem:$0x3FBB]  }
0x39: {  	_ = 	snop;
	(pc) =	sbr.ind lr, $3  }
0x3a: {  	_ = 	snop  }
0x3b: {  	_ = 	snop  }
0x3c: {  	p2 =	seq.s32 s10, $0x1;
	s10 =	sld [smem:$0x3FBA]  }
0x3d: {  	_ =	shalt  }
0x3e: {  	_ =	shalt  }
0x3f: {  	_ =	shalt  }
0x40: {  	_ =	shalt  }
0x41: {  	_ =	shalt  }
0x42: {  	_ =	shalt  }
0x43: {  	_ =	shalt  }
0x44: {  	_ =	shalt  }
0x45: {  	_ =	shalt  }
0x46: {  	_ =	shalt  }
0x47: {  	_ =	shalt  }
0x48: {  	_ =	shalt  }
0x49: {  	_ =	shalt  }
0x4a: {  	_ =	shalt  }
0x4b: {  	_ =	shalt  }
0x4c: {  	_ =	shalt  }
0x4d: {  	_ =	shalt  }
0x4e: {  	_ =	shalt  }
0x4f: {  	_ =	shalt  }
0x50: {  	_ =	shalt  }
0x51: {  	_ =	shalt  }
0x52: {  	_ =	shalt  }
0x53: {  	_ =	shalt  }
0x54: {  	_ =	shalt  }
0x55: {  	_ =	shalt  }
0x56: {  	_ =	shalt  }
0x57: {  	_ =	shalt  }
0x58: {  	_ =	shalt  }
0x59: {  	_ =	shalt  }
0x5a: {  	_ =	shalt  }
0x5b: {  	_ =	shalt  }
0x5c: {  	_ =	shalt  }
0x5d: {  	_ =	shalt  }
0x5e: {  	_ =	shalt  }
0x5f: {  	_ =	shalt  }
0x60: {  	_ =	shalt  }
0x61: {  	_ =	shalt  }
0x62: {  	_ =	shalt  }
0x63: {  	_ =	shalt  }
0x64: {  	_ =	shalt  }
0x65: {  	_ =	shalt  }
0x66: {  	_ =	shalt  }
0x67: {  	_ =	shalt  }
0x68: {  	_ =	shalt  }
0x69: {  	_ =	shalt  }
0x6a: {  	_ =	shalt  }
0x6b: {  	_ =	shalt  }
0x6c: {  	_ =	shalt  }
0x6d: {  	_ =	shalt  }
0x6e: {  	_ =	shalt  }
0x6f: {  	_ =	shalt  }
0x70: {  	_ =	shalt  }
0x71: {  	_ =	shalt  }
0x72: {  	_ =	shalt  }
0x73: {  	_ =	shalt  }
0x74: {  	_ =	shalt  }
0x75: {  	_ =	shalt  }
0x76: {  	_ =	shalt  }
0x77: {  	_ =	shalt  }
0x78: {  	_ =	shalt  }
0x79: {  	_ =	shalt  }
0x7a: {  	_ =	shalt  }
0x7b: {  	_ =	shalt  }
0x7c: {  	_ =	shalt  }
0x7d: {  	_ =	shalt  }
0x7e: {  	_ =	shalt  }
0x7f: {  	_ =	shalt  }
0x80: {  	_ =	shalt  }
0x81: {  	_ =	shalt  }
0x82: {  	_ =	shalt  }
0x83: {  	_ =	shalt  }
0x84: {  	_ =	shalt  }
0x85: {  	_ =	shalt  }
0x86: {  	_ =	shalt  }
0x87: {  	_ =	shalt  }
.Lfunc_end0:
.L_simem_size_0:
called_computation_lowered:
.L_overlay_start_0:
0x88: {  	s2 =	sld [smem:$0x3FD9]  }
0x89: {  	s3 =	sld [smem:$0x3FFE];
	_ =	sdelay $0x1  }
0x8a: {  	s1 =	srdreg.scid  }
0x8b: {  	s0 =	sand.u32 $0x1, s1  }
0x8c: {  	s17 =	sshll.u32 s0, $0xA;
	s2 =	sadd.s32 s3, s2  }
0x8d: {  	s2 =	sadd.s32 s2, s17  }
0x8e: {  	[smem:$0x3FC6] =	sst s2  }
0x8f: {  	_ = 	snop  }
0x90: {  	s2 =	sld [smem:$0x3FD0];
	(tm) =	ssettm $0x1  }
0x91: {  	s18 =	sld [smem:$0x3FFB];
	_ =	sdelay $0x3  }
0x92: {  	_ =	strace s18  }
0x93: {  	s3 =	sld [smem:$0x3FFC];
	_ =	sdelay $0x3  }
0x94: {  	_ =	strace s3  }
0x95: {  	s3 =	sld [smem:$0x3FFD];
	_ =	sdelay $0x3  }
0x96: {  	_ =	strace s3  }
0x97: {  	_ =	strace $0x8FFFFFFF  }
0x98: {  	s19 =	sld [smem:$0x3FDB];
	_ =	sdelay $0x1  }
0x99: {  	s4 =	simm.s32 $_scs_section_size  }
0x9a: {  	s5 =	simm.s32 $_size__tile_overlayer_lowered;
	s6 =	simm.s32 $_tile_overlayer_lowered  }
0x9b: {  	s22 =	simm.s32 $0x1BFF;
	s21 =	sshll.u32 s6, $0x1;
	s3 =	sadd.s32 s4, s19  }
0x9c: {  	s7 =	simm.s32 $0x0;
	s20 =	sshll.u32 s5, $0x1;
	s5 =	sadd.s32 s21, s3  }
0x9d: {  	[timem:s7], [sflag:s22] =	dma.local [hbm:s5], s20  }
0x9e: {  	_ =	swait.ge [sflag:s22], s20  }
0x9f: {  	s4 =	ssub.s32 $0x0, s20;
	[sflag:s22] =	ssyncset.done $0x0  }
0xa0: {  	[sflag:s22] =	ssyncadd.s32 s4;
	_ =	sdelay $0x1  }
0xa1: {  	s23 =	simm.s32 $0x1B8B  }
0xa2: {  	_ =	swait.ge [sflag:s23], $0x1  }
0xa3: {  	[sflag:s23] =	ssyncset.done $0x0  }
0xa4: {  	s25 =	simm.s32 $0x1B8E;
	s24 =	sld [smem:$0x3FFE];
	[sflag:s23] =	ssyncadd.s32 $0xFFFFFFFF  }
0xa5: {  	s26 =	simm.s32 $execute0_lowered;
	[smem:$0x3FD2] =	sst s25  }
0xa6: {  	s5 =	sshll.u32 s26, $0x1;
	_ =	strace $0x80000046;
	[dreg:$0x1] =	wrdreg $0xFFFFFFFF  }
0xa7: {  	s28 =	simm.s32 $_size_execute0_lowered;
	s3 =	sadd.s32 s3, s5;
	[dreg:$0x0] =	wrdreg $0x0  }
0xa8: {  	s5 =	sshll.u32 s28, $0x1;
	[dreg:$0x2] =	wrdreg s3  }
0xa9: {  	[dreg:$0x3] =	wrdreg s5  }
0xaa: {  	[dreg:$0x4] =	wrdreg $0xC0  }
0xab: {  	_ =	task [dreg:s7], $0x5FFFF  }
0xac: {  	[dreg:$0x1] =	wrdreg $0xFFFFFFFF  }
0xad: {  	[dreg:$0x0] =	wrdreg $0x60  }
0xae: {  	[dreg:$0x2] =	wrdreg s24  }
0xaf: {  	[dreg:$0x3] =	wrdreg s2  }
0xb0: {  	[dreg:$0x4] =	wrdreg $0x9  }
0xb1: {  	_ =	task.clear_ibuf [dreg:s7], $0x5FFFF;
	_ =	strace $0x90000046  }
0xb2: {  	s29 =	simm.s32 $0x9;
	_ =	strace $0x80000048  }
0xb3: {  	_ =	swait.ge [sflag:s29], $0x1  }
0xb4: {  	[sflag:s29] =	ssyncadd.s32 $0xFFFFFFFF  }
0xb5: {  	_ =	strace $0x90000048  }
0xb6: {  	_ =	sfence  }
0xb7: {  	s30 =	sld [smem:$0x0];
	_ =	sdelay $0x2  }
0xb8: {  	s31 =	sshll.u32 s1, $0xD;
	s1 =	sshrl.u32 s1, $0x2  }
0xb9: {  	s3 =	sand.u32 $0x4000, s31;
	s1 =	sadd.s32 s1, s30  }
0xba: {  	s0 =	sor.u32 s3, s0;
	s1 =	sshll.u32 s1, $0x11  }
0xbb: {  	s0 =	sor.u32 s1, s0  }
0xbc: {  	s0 =	sadd.s32 $0x8F2B, s0  }
0xbd: {  	[sflag:s0] =	ssyncadd.remote.s32 $0x1  }
0xbe: {  	_ =	sfence.sel $0xFFFF  }
0xbf: {  	[dreg:$0x0] =	wrdreg $0xFFFFFFFF;
	(pc) =	sbr.abs _section_cstart, $3  }
0xc0: {  	[dreg:$0x1] =	wrdreg $0xFFFFFFFF  }
0xc1: {  	_ =	task.clear_ibuf [dreg:s7], $0x2FFFF;
	_ =	strace $0x9FFFFFFF  }
0xc2: {  	(tm) =	ssettm $0x7FFFFFFF  }
0xc3: {  	_ =	shalt  }
tec
execute0_lowered:
.L_overlay_start_1:
0x0: {  	(tag) =	ssettag $0x1  }
0x1: {  	s0 =	srdreg.scid;
	s2 =	stileid.u32  }
0x2: {  	s1 =	rddreg [dreg:$0x0];
	s0 =	sand.u32 $0x1, s0;
	s2 =	sshll.u32 s2, $0x1  }
0x3: {  	s3 =	rddreg [dreg:$0x1];
	s4 =	sor.u32 s0, s2;
	s2 =	simm.s32 $0x0  }
0x4: {  	s0 =	ssub.s32 $0x2, s0;
	s4 =	smul.u32 $0x7, s4;
	[smem:$0x7FF] =	sst s2  }
0x5: {  	s5 =	sadd.s32 $0x600, s1;
	s6 =	sshrl.u32 s0, $0x1;
	_ =	strace $0x80000047  }
0x6: {  	[dreg:$0x3] =	wrdreg s5;
	s0 =	ssub.s32 s0, s6;
	s4 =	smin.u32 s4, $0xBE  }
0x7: {  	s0 =	smax.u32 s0, $0x1;
	s30 =	sshll.u32 s4, $0x5;
	s4 =	sshll.u32 s4, $0x9  }
0x8: {  	[dreg:$0x6] =	wrdreg s0;
	s1 =	sadd.s32 s30, s1;
	s31 =	sadd.s32 s3, s4  }
0x9: {  	s9 =	simm.s32 $0x1;
	s1 =	sadd.s32 $0xC00, s1;
	[dreg:$0x5] =	wrdreg s31  }
0xa: {  	s11 =	simm.s32 $0x3;
	s12 =	simm.s32 $0x0;
	[dreg:$0x4] =	wrdreg s1  }
.LBB2_1:
0xb: {  	s0 =	rddreg [dreg:$0x3]  }
0xc: {  	[tilespmem:s2], [sflag:$0x1] =	stream.linear.gather [hbm4b:s0+s2], $0x2E00, $0x38;
	[tilespmem:$0xA500] =	vst v63  }
0xd: {  	s30 =	rddreg [dreg:$0x4];
	s1 =	simm.s32 $0x2E00;
	s31 =	simm.s32 $0x2  }
0xe: {  	[tilespmem:s1], [sflag:$0x2] =	stream.linear.gather [hbm4b:s30+s2], $0x700, $0x38;
	[tilespmem:$0xA500] =	vst v63  }
0xf: {  	_ =	swait.ge [sflag:s31], $0x700  }
0x10: {  	[sflag:s31] =	ssyncset.done $0x0  }
0x11: {  	[sflag:s31] =	ssyncadd.s32 $0xFFFFF900  }
0x12: {  	_ =	swait.ge [sflag:s9], $0x2E00  }
0x13: {  	[sflag:s9] =	ssyncset.done $0x0  }
0x14: {  	s13 =	simm.s32 $0x0;
	[sflag:s9] =	ssyncadd.s32 $0xFFFFD200  }
.LBB2_2:
0x15: {  	s0 =	sshll.u32 s13, $0x8  }
0x16: {  	s3 =	sand.u32 $0x3FFFFF00, s0  }
0x17: {  	v0 =	vld [tilespmem:s3+$0x2E00];
	_ =	sdelay $0x1  }
0x18: {  	v1 =	vld [tilespmem:s3+$0x2E10]  }
0x19: {  	v2 =	vld [tilespmem:s3+$0x2E20]  }
0x1a: {  	v3 =	vld [tilespmem:s3+$0x2E30]  }
0x1b: {  	s14 =	simm.s32 $0x0;
	v4 =	vld [tilespmem:s3+$0x2E40];
	v0 =	vshll.u32 v0, $0x4  }
0x1c: {  	v5 =	vld [tilespmem:s3+$0x2E50];
	v7 =	vor.u32 s14, v0  }
0x1d: {  	s1 =	simm.s32 $0x1;
	v6 =	vld [tilespmem:s3+$0x2E60]  }
0x1e: {  	s0 =	simm.s32 $0x3;
	v8 =	vld [tilespmem:s3+$0x2E70];
	v12 =	vor.u32 s1, v0  }
0x1f: {  	v13 =	vld [tilespmem:s3+$0x2E80];
	v14 =	vor.u32 s0, v0  }
0x20: {  	v9 =	vld [tilespmem:s3+$0x2E90]  }
0x21: {  	s4 =	sshll.u32 s13, $0xE;
	v1 =	vshll.u32 v1, $0x4;
	v7 =	vld.idx.msk [tilespmem:v7+s2+$0x0], $0xffff  }
0x22: {  	s16 =	simm.s32 $0x2;
	s4 =	sshra.s32 s4, $0x2;
	v10 =	vld [tilespmem:s3+$0x2EA0];
	v15 =	vor.u32 s14, v1  }
0x23: {  	s5 =	simm.s32 $0x0;
	s22 =	sand.u32 $0x800, s14;
	s20 =	sadd.s32 $0x3500, s4;
	v16 =	vor.u32 s16, v0;
	v17 =	vld.idx.msk [tilespmem:v12+s2+$0x0], $0xffff  }
0x24: {  	s5 =	sand.u32 $0x200, s5;
	s4 =	sadd.s32 s22, s20;
	v18 =	vor.u32 s1, v1;
	v14 =	vld.idx.msk [tilespmem:v14+s2+$0x0], $0xffff  }
0x25: {  	s23 =	simm.s32 $0x80;
	v11 =	vld [tilespmem:s3+$0x2EB0];
	s15 =	sadd.s32 s5, s4;
	v19 =	vor.u32 s0, v1  }
0x26: {  	s24 =	simm.s32 $0x180;
	v12 =	vld [tilespmem:s3+$0x2EC0];
	s3 =	sand.u32 $0x280, s23;
	[tilespmem:s15+$0x0] =	vst v7  }
0x27: {  	s25 =	sand.u32 $0x380, s24;
	v2 =	vshll.u32 v2, $0x4;
	s18 =	sadd.s32 s3, s4;
	v7 =	vld.idx.msk [tilespmem:v15+s2+$0x0], $0xffff  }
0x28: {  	s19 =	sadd.s32 s25, s4;
	[tilespmem:s18+$0x0] =	vst v17;
	v15 =	vld.idx.msk [tilespmem:v16+s2+$0x0], $0xffff;
	v16 =	vor.u32 s14, v2  }
0x29: {  	v17 =	vor.u32 s16, v1;
	[tilespmem:s19+$0x0] =	vst v14;
	v18 =	vld.idx.msk [tilespmem:v18+s2+$0x0], $0xffff  }
0x2a: {  	s26 =	simm.s32 $0x100;
	v14 =	vor.u32 s1, v2;
	v19 =	vld.idx.msk [tilespmem:v19+s2+$0x0], $0xffff  }
0x2b: {  	v20 =	vor.u32 s0, v2;
	s3 =	sand.u32 $0x300, s26  }
0x2c: {  	s17 =	sadd.s32 s3, s4;
	[tilespmem:s15+$0x10] =	vst v7  }
0x2d: {  	v3 =	vshll.u32 v3, $0x4;
	[tilespmem:s17+$0x0] =	vst v15;
	v7 =	vld.idx.msk [tilespmem:v16+s2+$0x0], $0xffff  }
0x2e: {  	[tilespmem:s18+$0x10] =	vst v18;
	v15 =	vld.idx.msk [tilespmem:v17+s2+$0x0], $0xffff;
	v16 =	vor.u32 s14, v3  }
0x2f: {  	[tilespmem:s19+$0x10] =	vst v19;
	v17 =	vor.u32 s16, v2;
	v14 =	vld.idx.msk [tilespmem:v14+s2+$0x0], $0xffff  }
0x30: {  	v18 =	vor.u32 s1, v3;
	v19 =	vld.idx.msk [tilespmem:v20+s2+$0x0], $0xffff  }
0x31: {  	v20 =	vor.u32 s0, v3  }
0x32: {  	[tilespmem:s15+$0x20] =	vst v7  }
0x33: {  	v4 =	vshll.u32 v4, $0x4;
	[tilespmem:s17+$0x10] =	vst v15;
	v7 =	vld.idx.msk [tilespmem:v16+s2+$0x0], $0xffff  }
0x34: {  	[tilespmem:s18+$0x20] =	vst v14;
	v14 =	vor.u32 s14, v4;
	v15 =	vld.idx.msk [tilespmem:v17+s2+$0x0], $0xffff  }
0x35: {  	[tilespmem:s19+$0x20] =	vst v19;
	v16 =	vor.u32 s16, v3;
	v17 =	vld.idx.msk [tilespmem:v18+s2+$0x0], $0xffff  }
0x36: {  	v18 =	vor.u32 s1, v4;
	v19 =	vld.idx.msk [tilespmem:v20+s2+$0x0], $0xffff  }
0x37: {  	v20 =	vor.u32 s0, v4  }
0x38: {  	[tilespmem:s15+$0x30] =	vst v7  }
0x39: {  	v5 =	vshll.u32 v5, $0x4;
	[tilespmem:s17+$0x20] =	vst v15;
	v7 =	vld.idx.msk [tilespmem:v14+s2+$0x0], $0xffff  }
0x3a: {  	[tilespmem:s18+$0x30] =	vst v17;
	v15 =	vor.u32 s14, v5;
	v14 =	vld.idx.msk [tilespmem:v16+s2+$0x0], $0xffff  }
0x3b: {  	[tilespmem:s19+$0x30] =	vst v19;
	v16 =	vor.u32 s16, v4;
	v17 =	vld.idx.msk [tilespmem:v18+s2+$0x0], $0xffff  }
0x3c: {  	v18 =	vor.u32 s1, v5;
	v19 =	vld.idx.msk [tilespmem:v20+s2+$0x0], $0xffff  }
0x3d: {  	v20 =	vor.u32 s0, v5  }
0x3e: {  	[tilespmem:s15+$0x40] =	vst v7  }
0x3f: {  	[tilespmem:s17+$0x30] =	vst v14;
	v7 =	vld.idx.msk [tilespmem:v15+s2+$0x0], $0xffff  }
0x40: {  	v6 =	vshll.u32 v6, $0x4;
	[tilespmem:s18+$0x40] =	vst v17;
	v14 =	vld.idx.msk [tilespmem:v16+s2+$0x0], $0xffff  }
0x41: {  	[tilespmem:s19+$0x40] =	vst v19;
	v15 =	vor.u32 s14, v6;
	v17 =	vld.idx.msk [tilespmem:v18+s2+$0x0], $0xffff  }
0x42: {  	v18 =	vor.u32 s1, v6;
	v19 =	vld.idx.msk [tilespmem:v20+s2+$0x0], $0xffff  }
0x43: {  	v20 =	vor.u32 s0, v6  }
0x44: {  	s21 =	simm.s32 $0x4;
	v16 =	vor.u32 s16, v5;
	[tilespmem:s15+$0x50] =	vst v7  }
0x45: {  	s22 =	simm.s32 $0x5;
	v21 =	vor.u32 s21, v0;
	[tilespmem:s17+$0x40] =	vst v14  }
0x46: {  	s25 =	simm.s32 $0x7;
	v7 =	vshll.u32 v8, $0x4;
	v14 =	vor.u32 s22, v0;
	[tilespmem:s18+$0x50] =	vst v17;
	v8 =	vld.idx.msk [tilespmem:v15+s2+$0x0], $0xffff  }
0x47: {  	s23 =	simm.s32 $0x6;
	[tilespmem:s19+$0x50] =	vst v19;
	v17 =	vld.idx.msk [tilespmem:v18+s2+$0x0], $0xffff;
	v18 =	vor.u32 s25, v0  }
0x48: {  	v19 =	vld.idx.msk [tilespmem:v20+s2+$0x0], $0xffff;
	v20 =	vor.u32 s23, v0  }
0x49: {  	v15 =	vld.idx.msk [tilespmem:v16+s2+$0x0], $0xffff;
	v16 =	vor.u32 s14, v7  }
0x4a: {  	v21 =	vld.idx.msk [tilespmem:v21+s2+$0x0], $0xffff  }
0x4b: {  	s30 =	simm.s32 $0x400;
	v22 =	vor.u32 s1, v7;
	v14 =	vld.idx.msk [tilespmem:v14+s2+$0x0], $0xffff  }
0x4c: {  	s6 =	simm.s32 $0x200;
	s5 =	sand.u32 $0x800, s30;
	v23 =	vor.u32 s21, v1;
	[tilespmem:s15+$0x60] =	vst v8;
	v18 =	vld.idx.msk [tilespmem:v18+s2+$0x0], $0xffff  }
0x4d: {  	s4 =	sand.u32 $0x200, s6;
	s3 =	sadd.s32 s5, s20;
	[tilespmem:s18+$0x60] =	vst v17;
	v17 =	vld.idx.msk [tilespmem:v20+s2+$0x0], $0xffff  }
0x4e: {  	s7 =	simm.s32 $0x280;
	s24 =	sadd.s32 s4, s3;
	v8 =	vshll.u32 v13, $0x4;
	v13 =	vld.idx.msk [tilespmem:v16+s2+$0x0], $0xffff;
	v16 =	vor.u32 s22, v1  }
0x4f: {  	s31 =	simm.s32 $0x380;
	s8 =	sand.u32 $0x280, s7;
	[tilespmem:s24+$0x0] =	vst v21;
	v20 =	vor.u32 s25, v1  }
0x50: {  	s10 =	simm.s32 $0x300;
	v24 =	vor.u32 s23, v1;
	s26 =	sand.u32 $0x380, s31;
	s29 =	sadd.s32 s8, s3;
	[tilespmem:s17+$0x50] =	vst v15;
	v22 =	vld.idx.msk [tilespmem:v22+s2+$0x0], $0xffff  }
0x51: {  	s4 =	sand.u32 $0x300, s10;
	s26 =	sadd.s32 s26, s3;
	v21 =	vld.idx.msk [tilespmem:v23+s2+$0x0], $0xffff;
	v15 =	vor.u32 s14, v8;
	[tilespmem:s29+$0x0] =	vst v14  }
0x52: {  	s28 =	sadd.s32 s4, s3;
	v14 =	vor.u32 s1, v8;
	[tilespmem:s26+$0x0] =	vst v18  }
0x53: {  	[tilespmem:s28+$0x0] =	vst v17;
	v17 =	vor.u32 s0, v7;
	v16 =	vld.idx.msk [tilespmem:v16+s2+$0x0], $0xffff  }
0x54: {  	[tilespmem:s15+$0x70] =	vst v13;
	v13 =	vor.u32 s21, v2;
	v20 =	vld.idx.msk [tilespmem:v20+s2+$0x0], $0xffff  }
0x55: {  	v18 =	vor.u32 s22, v2;
	[tilespmem:s18+$0x70] =	vst v22;
	v22 =	vld.idx.msk [tilespmem:v24+s2+$0x0], $0xffff  }
0x56: {  	v23 =	vor.u32 s25, v2;
	[tilespmem:s24+$0x10] =	vst v21;
	v15 =	vld.idx.msk [tilespmem:v15+s2+$0x0], $0xffff  }
0x57: {  	v9 =	vshll.u32 v9, $0x4;
	[tilespmem:s19+$0x60] =	vst v19;
	v24 =	vor.u32 s23, v2;
	v14 =	vld.idx.msk [tilespmem:v14+s2+$0x0], $0xffff  }
0x58: {  	v19 =	vor.u32 s1, v9;
	v17 =	vld.idx.msk [tilespmem:v17+s2+$0x0], $0xffff;
	[tilespmem:s29+$0x10] =	vst v16  }
0x59: {  	v13 =	vld.idx.msk [tilespmem:v13+s2+$0x0], $0xffff;
	v16 =	vor.u32 s16, v6;
	[tilespmem:s26+$0x10] =	vst v20  }
0x5a: {  	v20 =	vor.u32 s21, v3;
	[tilespmem:s28+$0x10] =	vst v22;
	v18 =	vld.idx.msk [tilespmem:v18+s2+$0x0], $0xffff  }
0x5b: {  	v22 =	vld.idx.msk [tilespmem:v23+s2+$0x0], $0xffff;
	[tilespmem:s15+$0x400] =	vst v15;
	v23 =	vor.u32 s0, v8  }
0x5c: {  	v21 =	vor.u32 s22, v3;
	v15 =	vld.idx.msk [tilespmem:v24+s2+$0x0], $0xffff;
	[tilespmem:s18+$0x400] =	vst v14  }
0x5d: {  	v14 =	vor.u32 s25, v3;
	v19 =	vld.idx.msk [tilespmem:v19+s2+$0x0], $0xffff;
	[tilespmem:s19+$0x70] =	vst v17  }
0x5e: {  	v16 =	vld.idx.msk [tilespmem:v16+s2+$0x0], $0xffff;
	[tilespmem:s24+$0x20] =	vst v13;
	v13 =	vor.u32 s23, v3  }
0x5f: {  	v10 =	vshll.u32 v10, $0x4;
	v20 =	vld.idx.msk [tilespmem:v20+s2+$0x0], $0xffff;
	[tilespmem:s29+$0x20] =	vst v18;
	v18 =	vor.u32 s16, v7  }
0x60: {  	v24 =	vor.u32 s1, v10;
	[tilespmem:s26+$0x20] =	vst v22;
	v22 =	vld.idx.msk [tilespmem:v23+s2+$0x0], $0xffff  }
0x61: {  	v17 =	vor.u32 s21, v4;
	v21 =	vld.idx.msk [tilespmem:v21+s2+$0x0], $0xffff  }
0x62: {  	v23 =	vor.u32 s22, v4;
	[tilespmem:s28+$0x20] =	vst v15;
	v14 =	vld.idx.msk [tilespmem:v14+s2+$0x0], $0xffff  }
0x63: {  	v15 =	vor.u32 s0, v9;
	v13 =	vld.idx.msk [tilespmem:v13+s2+$0x0], $0xffff;
	[tilespmem:s17+$0x60] =	vst v16  }
0x64: {  	[tilespmem:s18+$0x410] =	vst v19;
	v16 =	vor.u32 s25, v4;
	v18 =	vld.idx.msk [tilespmem:v18+s2+$0x0], $0xffff  }
0x65: {  	v19 =	vor.u32 s23, v4;
	[tilespmem:s24+$0x30] =	vst v20;
	v20 =	vld.idx.msk [tilespmem:v24+s2+$0x0], $0xffff  }
0x66: {  	v11 =	vshll.u32 v11, $0x4;
	v17 =	vld.idx.msk [tilespmem:v17+s2+$0x0], $0xffff;
	[tilespmem:s29+$0x30] =	vst v21;
	v21 =	vor.u32 s16, v8  }
0x67: {  	v24 =	vor.u32 s1, v11;
	[tilespmem:s19+$0x400] =	vst v22;
	v23 =	vld.idx.msk [tilespmem:v23+s2+$0x0], $0xffff  }
0x68: {  	v22 =	vor.u32 s21, v5;
	[tilespmem:s26+$0x30] =	vst v14;
	v14 =	vld.idx.msk [tilespmem:v15+s2+$0x0], $0xffff  }
0x69: {  	v15 =	vor.u32 s22, v5;
	[tilespmem:s28+$0x30] =	vst v13;
	v13 =	vld.idx.msk [tilespmem:v16+s2+$0x0], $0xffff  }
0x6a: {  	v16 =	vld.idx.msk [tilespmem:v19+s2+$0x0], $0xffff;
	[tilespmem:s17+$0x70] =	vst v18;
	v18 =	vor.u32 s0, v10  }
0x6b: {  	v19 =	vor.u32 s25, v5;
	[tilespmem:s18+$0x420] =	vst v20;
	v20 =	vld.idx.msk [tilespmem:v21+s2+$0x0], $0xffff  }
0x6c: {  	[tilespmem:s24+$0x40] =	vst v17;
	v17 =	vor.u32 s23, v5;
	v21 =	vld.idx.msk [tilespmem:v24+s2+$0x0], $0xffff  }
0x6d: {  	v24 =	vor.u32 s14, v9;
	v22 =	vld.idx.msk [tilespmem:v22+s2+$0x0], $0xffff;
	[tilespmem:s29+$0x40] =	vst v23  }
0x6e: {  	v23 =	vor.u32 s16, v9;
	[tilespmem:s19+$0x410] =	vst v14;
	v15 =	vld.idx.msk [tilespmem:v15+s2+$0x0], $0xffff  }
0x6f: {  	v25 =	vor.u32 s21, v6;
	[tilespmem:s26+$0x40] =	vst v13;
	v18 =	vld.idx.msk [tilespmem:v18+s2+$0x0], $0xffff  }
0x70: {  	v26 =	vor.u32 s22, v6;
	[tilespmem:s28+$0x40] =	vst v16;
	v27 =	vld.idx.msk [tilespmem:v19+s2+$0x0], $0xffff  }
0x71: {  	v28 =	vld.idx.msk [tilespmem:v17+s2+$0x0], $0xffff;
	[tilespmem:s17+$0x400] =	vst v20;
	v17 =	vor.u32 s0, v11  }
0x72: {  	v29 =	vor.u32 s25, v6;
	[tilespmem:s18+$0x430] =	vst v21;
	v16 =	vld.idx.msk [tilespmem:v24+s2+$0x0], $0xffff  }
0x73: {  	v12 =	vshll.u32 v12, $0x4;
	v20 =	vld.idx.msk [tilespmem:v23+s2+$0x0], $0xffff;
	[tilespmem:s24+$0x50] =	vst v22  }
0x74: {  	v19 =	vor.u32 s1, v12;
	v21 =	vld.idx.msk [tilespmem:v25+s2+$0x0], $0xffff;
	[tilespmem:s29+$0x50] =	vst v15  }
0x75: {  	v14 =	vor.u32 s0, v12;
	v22 =	vld.idx.msk [tilespmem:v26+s2+$0x0], $0xffff;
	[tilespmem:s19+$0x420] =	vst v18;
	v18 =	vor.u32 s16, v10  }
0x76: {  	v13 =	vor.u32 s25, v12;
	v15 =	vor.u32 s14, v10;
	[tilespmem:s26+$0x50] =	vst v27;
	v17 =	vld.idx.msk [tilespmem:v17+s2+$0x0], $0xffff  }
0x77: {  	s1 =	simm.s32 $0x8;
	v23 =	vor.u32 s21, v7;
	v25 =	vor.u32 s22, v7;
	[tilespmem:s28+$0x50] =	vst v28;
	v24 =	vld.idx.msk [tilespmem:v29+s2+$0x0], $0xffff  }
.LBB2_3:
0x78: {  	s0 =	sadd.s32 $0x1, s1  }
0x79: {  	v26 =	vor.u32 s1, v0;
	p0 =	slt.u32 s1, $0xC;
	v19 =	vld.idx.msk [tilespmem:v19+s2+$0x0], $0xffff;
	[tilespmem:s17+$0x410] =	vst v20;
	s3 =	smov.u32 s1;
	s1 =	sadd.s32 $0x4, s1  }
0x7a: {  	v20 =	vor.u32 s0, v0;
	s10 =	sadd.s32 $0x2, s3;
	[tilespmem:s15+$0x410] =	vst v16;
	v16 =	vld.idx.msk [tilespmem:v18+s2+$0x0], $0xffff  }
0x7b: {  	s7 =	sadd.s32 $0x3, s3;
	v18 =	vor.u32 s10, v0;
	[tilespmem:s24+$0x60] =	vst v21;
	v15 =	vld.idx.msk [tilespmem:v15+s2+$0x0], $0xffff  }
0x7c: {  	v21 =	vor.u32 s7, v0;
	v27 =	vor.u32 s7, v12;
	v23 =	vld.idx.msk [tilespmem:v23+s2+$0x0], $0xffff;
	[tilespmem:s29+$0x60] =	vst v22  }
0x7d: {  	v22 =	vld.idx.msk [tilespmem:v25+s2+$0x0], $0xffff;
	v25 =	vor.u32 s14, v11;
	[tilespmem:s19+$0x430] =	vst v17  }
0x7e: {  	[tilespmem:s26+$0x60] =	vst v24;
	v17 =	vld.idx.msk [tilespmem:v14+s2+$0x0], $0xffff;
	v14 =	vmov v13;
	v13 =	vmov v27  }
0x7f: {  	v24 =	vld.idx.msk [tilespmem:v26+s2+$0x0], $0xffff;
	v26 =	vor.u32 s21, v8;
	[tilespmem:s18+$0x440] =	vst v19;
	v19 =	vor.u32 s16, v11;
	s18 =	smov.u32 s29  }
0x80: {  	s31 =	sadd.s32 $0x200, s31;
	s30 =	sadd.s32 $0x400, s30;
	v27 =	vor.u32 s3, v1;
	v20 =	vld.idx.msk [tilespmem:v20+s2+$0x0], $0xffff;
	[tilespmem:s17+$0x420] =	vst v16  }
0x81: {  	s4 =	sand.u32 $0x800, s30;
	s5 =	sadd.s32 $0xFFFFFE80, s31;
	v16 =	vor.u32 s0, v1;
	v21 =	vld.idx.msk [tilespmem:v21+s2+$0x0], $0xffff;
	[tilespmem:s15+$0x420] =	vst v15  }
0x82: {  	s5 =	sand.u32 $0x200, s5;
	s6 =	sadd.s32 s4, s20;
	s29 =	sadd.s32 $0xFFFFFF00, s31;
	v15 =	vor.u32 s10, v1;
	[tilespmem:s24+$0x70] =	vst v23;
	v23 =	vld.idx.msk [tilespmem:v25+s2+$0x0], $0xffff  }
0x83: {  	s8 =	sadd.s32 $0xFFFFFF80, s31;
	s4 =	sadd.s32 s5, s6;
	s5 =	sand.u32 $0x280, s29;
	v25 =	vor.u32 s7, v1;
	v18 =	vld.idx.msk [tilespmem:v18+s2+$0x0], $0xffff;
	[tilespmem:s18+$0x70] =	vst v22  }
0x84: {  	s29 =	sadd.s32 s5, s6;
	s5 =	sand.u32 $0x300, s8;
	v22 =	vld.idx.msk [tilespmem:v26+s2+$0x0], $0xffff;
	v26 =	vor.u32 s14, v12;
	[tilespmem:s19+$0x440] =	vst v17;
	s14 =	smov.u32 s21  }
0x85: {  	s8 =	sand.u32 $0x380, s31;
	s5 =	sadd.s32 s5, s6;
	s21 =	smov.u32 s3;
	[tilespmem:s4+$0x0] =	vst v24;
	v17 =	vld.idx.msk [tilespmem:v19+s2+$0x0], $0xffff;
	v19 =	vor.u32 s16, v12  }
0x86: {  	s3 =	sadd.s32 s8, s6;
	s16 =	smov.u32 s23;
	s23 =	smov.u32 s10;
	v24 =	vld.idx.msk [tilespmem:v27+s2+$0x0], $0xffff;
	[tilespmem:s29+$0x0] =	vst v20;
	v20 =	vor.u32 s22, v8  }
0x87: {  	s19 =	smov.u32 s26;
	s26 =	smov.u32 s3;
	v27 =	vor.u32 s21, v2;
	v16 =	vld.idx.msk [tilespmem:v16+s2+$0x0], $0xffff;
	[tilespmem:s3+$0x0] =	vst v21  }
0x88: {  	v21 =	vor.u32 s0, v2;
	v25 =	vld.idx.msk [tilespmem:v25+s2+$0x0], $0xffff;
	[tilespmem:s15+$0x430] =	vst v23  }
0x89: {  	[tilespmem:s5+$0x0] =	vst v18;
	v18 =	vor.u32 s23, v2;
	v23 =	vld.idx.msk [tilespmem:v26+s2+$0x0], $0xffff  }
0x8a: {  	v26 =	vor.u32 s7, v2;
	v15 =	vld.idx.msk [tilespmem:v15+s2+$0x0], $0xffff;
	[tilespmem:s24+$0x400] =	vst v22;
	v22 =	vor.u32 s25, v7  }
0x8b: {  	v20 =	vld.idx.msk [tilespmem:v20+s2+$0x0], $0xffff;
	[tilespmem:s17+$0x430] =	vst v17  }
0x8c: {  	[tilespmem:s4+$0x10] =	vst v24;
	v17 =	vld.idx.msk [tilespmem:v19+s2+$0x0], $0xffff  }
0x8d: {  	v19 =	vld.idx.msk [tilespmem:v27+s2+$0x0], $0xffff;
	[tilespmem:s29+$0x10] =	vst v16;
	v16 =	vor.u32 s16, v6  }
0x8e: {  	v24 =	vor.u32 s22, v9;
	v21 =	vld.idx.msk [tilespmem:v21+s2+$0x0], $0xffff;
	[tilespmem:s26+$0x10] =	vst v25  }
0x8f: {  	v25 =	vor.u32 s21, v3;
	v22 =	vld.idx.msk [tilespmem:v22+s2+$0x0], $0xffff;
	[tilespmem:s15+$0x440] =	vst v23;
	s15 =	smov.u32 s24;
	s24 =	smov.u32 s4  }
0x90: {  	v23 =	vor.u32 s0, v3;
	[tilespmem:s5+$0x10] =	vst v15;
	v15 =	vld.idx.msk [tilespmem:v26+s2+$0x0], $0xffff  }
0x91: {  	v18 =	vld.idx.msk [tilespmem:v18+s2+$0x0], $0xffff;
	[tilespmem:s18+$0x400] =	vst v20;
	v20 =	vor.u32 s25, v8  }
0x92: {  	v26 =	vor.u32 s7, v3;
	v16 =	vld.idx.msk [tilespmem:v16+s2+$0x0], $0xffff;
	[tilespmem:s17+$0x440] =	vst v17;
	s17 =	smov.u32 s28;
	s28 =	smov.u32 s5  }
0x93: {  	v17 =	vor.u32 s23, v3;
	[tilespmem:s24+$0x20] =	vst v19;
	v19 =	vld.idx.msk [tilespmem:v24+s2+$0x0], $0xffff  }
0x94: {  	v24 =	vld.idx.msk [tilespmem:v25+s2+$0x0], $0xffff;
	[tilespmem:s29+$0x20] =	vst v21;
	v21 =	vor.u32 s16, v7  }
0x95: {  	v25 =	vor.u32 s22, v10;
	v23 =	vld.idx.msk [tilespmem:v23+s2+$0x0], $0xffff;
	[tilespmem:s19+$0x70] =	vst v22  }
0x96: {  	v22 =	vor.u32 s21, v4;
	[tilespmem:s26+$0x20] =	vst v15;
	v15 =	vld.idx.msk [tilespmem:v20+s2+$0x0], $0xffff  }
0x97: {  	v20 =	vor.u32 s0, v4;
	[tilespmem:s28+$0x20] =	vst v18;
	v18 =	vld.idx.msk [tilespmem:v26+s2+$0x0], $0xffff  }
0x98: {  	v17 =	vld.idx.msk [tilespmem:v17+s2+$0x0], $0xffff;
	[tilespmem:s17+$0x60] =	vst v16;
	v16 =	vor.u32 s25, v9  }
0x99: {  	v26 =	vor.u32 s7, v4;
	[tilespmem:s18+$0x410] =	vst v19;
	v19 =	vld.idx.msk [tilespmem:v21+s2+$0x0], $0xffff  }
0x9a: {  	v21 =	vor.u32 s23, v4;
	[tilespmem:s24+$0x30] =	vst v24;
	v24 =	vld.idx.msk [tilespmem:v25+s2+$0x0], $0xffff  }
0x9b: {  	v22 =	vld.idx.msk [tilespmem:v22+s2+$0x0], $0xffff;
	[tilespmem:s29+$0x30] =	vst v23;
	v23 =	vor.u32 s16, v8  }
0x9c: {  	v25 =	vor.u32 s22, v11;
	v20 =	vld.idx.msk [tilespmem:v20+s2+$0x0], $0xffff;
	[tilespmem:s19+$0x400] =	vst v15  }
0x9d: {  	v15 =	vor.u32 s21, v5;
	[tilespmem:s26+$0x30] =	vst v18;
	v16 =	vld.idx.msk [tilespmem:v16+s2+$0x0], $0xffff  }
0x9e: {  	v18 =	vor.u32 s0, v5;
	[tilespmem:s28+$0x30] =	vst v17;
	v17 =	vld.idx.msk [tilespmem:v26+s2+$0x0], $0xffff  }
0x9f: {  	v21 =	vld.idx.msk [tilespmem:v21+s2+$0x0], $0xffff;
	[tilespmem:s17+$0x70] =	vst v19;
	v19 =	vor.u32 s25, v10  }
0xa0: {  	v26 =	vor.u32 s7, v5;
	[tilespmem:s18+$0x420] =	vst v24;
	v23 =	vld.idx.msk [tilespmem:v23+s2+$0x0], $0xffff  }
0xa1: {  	[tilespmem:s24+$0x40] =	vst v22;
	v22 =	vor.u32 s23, v5;
	v24 =	vld.idx.msk [tilespmem:v25+s2+$0x0], $0xffff  }
0xa2: {  	v15 =	vld.idx.msk [tilespmem:v15+s2+$0x0], $0xffff;
	[tilespmem:s29+$0x40] =	vst v20;
	v20 =	vor.u32 s16, v9  }
0xa3: {  	v25 =	vor.u32 s14, v9;
	v18 =	vld.idx.msk [tilespmem:v18+s2+$0x0], $0xffff;
	[tilespmem:s19+$0x410] =	vst v16  }
0xa4: {  	v27 =	vor.u32 s21, v6;
	[tilespmem:s26+$0x40] =	vst v17;
	v17 =	vld.idx.msk [tilespmem:v19+s2+$0x0], $0xffff  }
0xa5: {  	v28 =	vor.u32 s0, v6;
	[tilespmem:s28+$0x40] =	vst v21;
	v26 =	vld.idx.msk [tilespmem:v26+s2+$0x0], $0xffff  }
0xa6: {  	v30 =	vor.u32 s25, v11;
	s25 =	smov.u32 s7;
	v29 =	vld.idx.msk [tilespmem:v22+s2+$0x0], $0xffff;
	[tilespmem:s17+$0x400] =	vst v23  }
0xa7: {  	v31 =	vor.u32 s25, v6;
	[tilespmem:s18+$0x430] =	vst v24;
	v20 =	vld.idx.msk [tilespmem:v20+s2+$0x0], $0xffff  }
.Ltmp0:
0xa8: {  	v19 =	vor.u32 s22, v12;
	s22 =	smov.u32 s0;
	[tilespmem:s24+$0x50] =	vst v15;
	v16 =	vld.idx.msk [tilespmem:v25+s2+$0x0], $0xffff;
	(pc) =	sbr.rel @p0 .LBB2_3-.Ltmp0, $4  }
0xa9: {  	v21 =	vld.idx.msk [tilespmem:v27+s2+$0x0], $0xffff;
	[tilespmem:s29+$0x50] =	vst v18;
	v18 =	vor.u32 s16, v10  }
0xaa: {  	v15 =	vor.u32 s14, v10;
	v22 =	vld.idx.msk [tilespmem:v28+s2+$0x0], $0xffff;
	[tilespmem:s19+$0x420] =	vst v17  }
0xab: {  	v23 =	vor.u32 s21, v7;
	[tilespmem:s26+$0x50] =	vst v26;
	v17 =	vld.idx.msk [tilespmem:v30+s2+$0x0], $0xffff  }
0xac: {  	v25 =	vor.u32 s22, v7;
	[tilespmem:s28+$0x50] =	vst v29;
	v24 =	vld.idx.msk [tilespmem:v31+s2+$0x0], $0xffff  }
0xad: {  	v0 =	vor.u32 s23, v6;
	_ =	sdelay $0x4  }
0xae: {  	v1 =	vor.u32 s25, v7;
	v0 =	vld.idx.msk [tilespmem:v0+s2+$0x0], $0xffff  }
0xaf: {  	v2 =	vor.u32 s23, v7  }
0xb0: {  	[tilespmem:s29+$0x60] =	vst v22  }
0xb1: {  	[tilespmem:s24+$0x60] =	vst v21;
	v3 =	vld.idx.msk [tilespmem:v25+s2+$0x0], $0xffff  }
0xb2: {  	v4 =	vor.u32 s22, v8;
	v5 =	vld.idx.msk [tilespmem:v23+s2+$0x0], $0xffff;
	[tilespmem:s26+$0x60] =	vst v24  }
0xb3: {  	v30 =	vor.u32 s21, v8;
	v1 =	vld.idx.msk [tilespmem:v1+s2+$0x0], $0xffff;
	[tilespmem:s28+$0x60] =	vst v0  }
0xb4: {  	v29 =	vor.u32 s25, v8;
	v2 =	vld.idx.msk [tilespmem:v2+s2+$0x0], $0xffff  }
0xb5: {  	[tilespmem:s17+$0x410] =	vst v20;
	v31 =	vor.u32 s23, v8  }
0xb6: {  	[tilespmem:s29+$0x70] =	vst v3  }
0xb7: {  	[tilespmem:s24+$0x70] =	vst v5;
	v3 =	vld.idx.msk [tilespmem:v4+s2+$0x0], $0xffff  }
0xb8: {  	v32 =	vor.u32 s22, v9;
	[tilespmem:s26+$0x70] =	vst v1;
	v0 =	vld.idx.msk [tilespmem:v30+s2+$0x0], $0xffff  }
0xb9: {  	v35 =	vor.u32 s21, v9;
	v33 =	vld.idx.msk [tilespmem:v29+s2+$0x0], $0xffff;
	[tilespmem:s28+$0x70] =	vst v2  }
0xba: {  	v34 =	vor.u32 s25, v9;
	[tilespmem:s15+$0x410] =	vst v16;
	v2 =	vld.idx.msk [tilespmem:v31+s2+$0x0], $0xffff  }
0xbb: {  	v36 =	vld.idx.msk [tilespmem:v19+s2+$0x0], $0xffff;
	v37 =	vor.u32 s23, v9;
	[tilespmem:s19+$0x430] =	vst v17  }
0xbc: {  	v38 =	vld.idx.msk [tilespmem:v18+s2+$0x0], $0xffff;
	[tilespmem:s29+$0x400] =	vst v3  }
0xbd: {  	v1 =	vld.idx.msk [tilespmem:v32+s2+$0x0], $0xffff;
	[tilespmem:s24+$0x400] =	vst v0  }
0xbe: {  	v39 =	vor.u32 s22, v10;
	[tilespmem:s26+$0x400] =	vst v33;
	v42 =	vld.idx.msk [tilespmem:v35+s2+$0x0], $0xffff  }
0xbf: {  	v44 =	vor.u32 s21, v10;
	v40 =	vld.idx.msk [tilespmem:v34+s2+$0x0], $0xffff;
	[tilespmem:s28+$0x400] =	vst v2  }
0xc0: {  	v41 =	vor.u32 s25, v10;
	[tilespmem:s18+$0x440] =	vst v36;
	v43 =	vld.idx.msk [tilespmem:v37+s2+$0x0], $0xffff  }
0xc1: {  	v46 =	vor.u32 s23, v10;
	v45 =	vld.idx.msk [tilespmem:v15+s2+$0x0], $0xffff;
	[tilespmem:s17+$0x420] =	vst v38  }
0xc2: {  	v47 =	vor.u32 s14, v11;
	v48 =	vld.idx.msk [tilespmem:v14+s2+$0x0], $0xffff;
	[tilespmem:s29+$0x410] =	vst v1  }
0xc3: {  	v49 =	vor.u32 s16, v11;
	v0 =	vld.idx.msk [tilespmem:v39+s2+$0x0], $0xffff;
	[tilespmem:s24+$0x410] =	vst v42  }
0xc4: {  	v50 =	vor.u32 s22, v11;
	[tilespmem:s26+$0x410] =	vst v40;
	v52 =	vld.idx.msk [tilespmem:v44+s2+$0x0], $0xffff  }
0xc5: {  	v54 =	vor.u32 s21, v11;
	v4 =	vld.idx.msk [tilespmem:v41+s2+$0x0], $0xffff;
	[tilespmem:s28+$0x410] =	vst v43  }
0xc6: {  	v51 =	vor.u32 s25, v11;
	[tilespmem:s15+$0x420] =	vst v45;
	v53 =	vld.idx.msk [tilespmem:v46+s2+$0x0], $0xffff  }
0xc7: {  	v56 =	vor.u32 s23, v11;
	v55 =	vld.idx.msk [tilespmem:v47+s2+$0x0], $0xffff;
	[tilespmem:s19+$0x440] =	vst v48  }
0xc8: {  	v57 =	vor.u32 s14, v12;
	v1 =	vld.idx.msk [tilespmem:v49+s2+$0x0], $0xffff;
	[tilespmem:s29+$0x420] =	vst v0  }
0xc9: {  	v58 =	vor.u32 s16, v12;
	v3 =	vld.idx.msk [tilespmem:v50+s2+$0x0], $0xffff;
	[tilespmem:s24+$0x420] =	vst v52  }
0xca: {  	v59 =	vor.u32 s22, v12;
	[tilespmem:s26+$0x420] =	vst v4;
	v5 =	vld.idx.msk [tilespmem:v54+s2+$0x0], $0xffff  }
0xcb: {  	v60 =	vor.u32 s21, v12;
	v2 =	vld.idx.msk [tilespmem:v51+s2+$0x0], $0xffff;
	[tilespmem:s28+$0x420] =	vst v53  }
0xcc: {  	[tilespmem:s15+$0x430] =	vst v55;
	v61 =	vld.idx.msk [tilespmem:v56+s2+$0x0], $0xffff  }
0xcd: {  	v62 =	vor.u32 s23, v12;
	v8 =	vld.idx.msk [tilespmem:v57+s2+$0x0], $0xffff;
	[tilespmem:s17+$0x430] =	vst v1  }
0xce: {  	v0 =	vld.idx.msk [tilespmem:v58+s2+$0x0], $0xffff;
	[tilespmem:s29+$0x430] =	vst v3  }
0xcf: {  	v3 =	vld.idx.msk [tilespmem:v59+s2+$0x0], $0xffff;
	[tilespmem:s24+$0x430] =	vst v5  }
0xd0: {  	[tilespmem:s26+$0x430] =	vst v2;
	v63 =	vld.idx.msk [tilespmem:v60+s2+$0x0], $0xffff  }
0xd1: {  	s13 =	sadd.s32 $0x1, s13;
	v2 =	vld.idx.msk [tilespmem:v13+s2+$0x0], $0xffff;
	[tilespmem:s28+$0x430] =	vst v61  }
0xd2: {  	p0 =	sne.s32 s13, $0x7;
	[tilespmem:s15+$0x440] =	vst v8;
	v1 =	vld.idx.msk [tilespmem:v62+s2+$0x0], $0xffff  }
.Ltmp1:
0xd3: {  	[tilespmem:s17+$0x440] =	vst v0;
	(pc) =	sbr.rel @p0 .LBB2_2-.Ltmp1, $4  }
0xd4: {  	[tilespmem:s29+$0x440] =	vst v3  }
0xd5: {  	[tilespmem:s24+$0x440] =	vst v63  }
0xd6: {  	[tilespmem:s26+$0x440] =	vst v2  }
0xd7: {  	[tilespmem:s28+$0x440] =	vst v1  }
0xd8: {  	s0 =	rddreg [dreg:$0x5];
	s1 =	simm.s32 $0x3500  }
0xd9: {  	[hbm4b:s0+s2] =	stream.linear.scatter [tilespmem:s1], [sflag:$0x3], $0x7000, $0x38;
	[tilespmem:$0xA500] =	vst v63  }
0xda: {  	_ =	swait.ge [sflag:s11], $0x7000  }
0xdb: {  	s12 =	sadd.s32 $0x1, s12;
	s31 =	rddreg [dreg:$0x6]  }
0xdc: {  	p0 =	sne.s32 s12, s31  }
.Ltmp2:
0xdd: {  	_ = 	snop;
	(pc) =	sbr.rel @p0 .LBB2_1-.Ltmp2, $3  }
0xde: {  	_ =	sdelay $0x1  }
0xdf: {  	[sflag:s11] =	ssyncset.done $0x0  }
0xe0: {  	[sflag:s11] =	ssyncadd.s32 $0xFFFF9000  }
0xe1: {  	_ =	sfence.sel $0x180000  }
0xe2: {  	[bflag:$0x0] =	sbarrier.arrive $0xFFFF  }
0xe3: {  	_ =	strace $0x90000047  }
0xe4: {  	s0 =	stileid.u32;
	[bflag:$0x2] =	sbarrier.arrive $0xFFFF  }
0xe5: {  	p0 =	sne.s32 s0, $0x0;
	s0 =	rddreg [dreg:$0x2]  }
0xe6: {  	s0 =	sadd.s32 @!p0 $0x100000, s0  }
0xe7: {  	[sflag:s0] =	ssyncadd.tile.s32 @!p0 $0x1;
	_ =	shalt  }
.Lfunc_end2:
_tile_overlayer_lowered:
.L_overlay_start_2:
0xe8: {  	(tag) =	ssettag $0x2  }
0xe9: {  	s0 =	rddreg [dreg:$0x0];
	s2 =	stileid.u32  }
0xea: {  	s1 =	rddreg [dreg:$0x1];
	p0 =	sne.s32 s2, $0x0  }
0xeb: {  	s3 =	rddreg [dreg:$0x2];
	[bflag:$0x3] =	sbarrier.arrive $0xFFFF;
	s2 =	simm.s32 @!p0 $0x1C03  }
0xec: {  	[timem:s3], [sflag:s2] =	dma.local @!p0 [hbm:s0], s1  }
0xed: {  	s0 =	simm.s32 @!p0 $0x3  }
0xee: {  	_ =	swait.ge @!p0 [sflag:s0], s1  }
0xef: {  	s1 =	ssub.s32 @!p0 $0x0, s1;
	[sflag:s0] =	ssyncset.done @!p0 $0x0  }
0xf0: {  	[sflag:s0] =	ssyncadd.s32 @!p0 s1  }
0xf1: {  	[bflag:$0x3] =	sbarrier.arrive $0xFFFF  }
0xf2: {  	_ =	shalt  }

</sc_bundles>
